<compile_context>
chip_gen: v7x
topology: tpu7x:2x2x1
jax: 0.10.2.dev20260603
libtpu: 0.0.44.dev20260713+nightly
codegen_flags: <defaults>
</compile_context>

<pallas_src>
import functools

import jax
import jax.numpy as jnp
from jax import lax
from jax.experimental import pallas as pl
from jax.experimental.pallas import tpu as pltpu
from jax.experimental.pallas import tpu_sc as plsc

_VOCAB = 1000000
_EMB = 64
_B = 4096
_L = 200

_NC = 2
_NS = 16
_NW = _NC * _NS
_BPW = _B // _NW
_LANES = 16

_CH = 10000
_NCH = _VOCAB // _CH
_RING = 4
_NOUT = _NCH // _RING


def _fold_body(tab_hbm, w_ref, b_ref, out_hbm, b0, b1, b2, b3, tv, sems, osem):
    bufs = (b0, b1, b2, b3)
    w = w_ref[...]
    bias = b_ref[0, 0]

    for r in range(_RING):
        pltpu.make_async_copy(
            tab_hbm.at[pl.ds(r * _CH, _CH), :], bufs[r], sems.at[r]
        ).start()

    def outer(g, carry):
        for r in range(_RING):
            c = g * _RING + r
            pltpu.make_async_copy(
                tab_hbm.at[pl.ds(c * _CH, _CH), :], bufs[r], sems.at[r]
            ).wait()
            x = bufs[r][...]
            y = lax.dot_general(
                w, x, (((1,), (1,)), ((), ())),
                preferred_element_type=jnp.float32,
                precision=lax.Precision.DEFAULT,
            ) + bias
            tv[pl.ds(c, 1), :] = y

            @pl.when(c + _RING < _NCH)
            def _():
                pltpu.make_async_copy(
                    tab_hbm.at[pl.ds((c + _RING) * _CH, _CH), :],
                    bufs[r],
                    sems.at[r],
                ).start()

        return carry

    lax.fori_loop(0, _NOUT, outer, 0)
    pltpu.async_copy(tv, out_hbm, osem).wait()


def _fold_table(table, w_scaled, b_scaled):
    return pl.pallas_call(
        _fold_body,
        in_specs=[
            pl.BlockSpec(memory_space=pl.ANY),
            pl.BlockSpec(memory_space=pltpu.VMEM),
            pl.BlockSpec(memory_space=pltpu.VMEM),
        ],
        out_specs=pl.BlockSpec(memory_space=pl.ANY),
        out_shape=jax.ShapeDtypeStruct((_NCH, _CH), jnp.float32),
        scratch_shapes=[
            pltpu.VMEM((_CH, _EMB), jnp.float32),
            pltpu.VMEM((_CH, _EMB), jnp.float32),
            pltpu.VMEM((_CH, _EMB), jnp.float32),
            pltpu.VMEM((_CH, _EMB), jnp.float32),
            pltpu.VMEM((_NCH, _CH), jnp.float32),
            pltpu.SemaphoreType.DMA((_RING,)),
            pltpu.SemaphoreType.DMA,
        ],
    )(table, w_scaled, b_scaled)


_mesh = plsc.VectorSubcoreMesh(core_axis_name="c", subcore_axis_name="s")

_GRP = 16


@functools.partial(
    pl.kernel,
    mesh=_mesh,
    out_type=jax.ShapeDtypeStruct((_B,), jnp.float32),
    scratch_types=[
        pltpu.VMEM((_L, _BPW), jnp.int32),
        pltpu.VMEM((_L, _BPW), jnp.float32),
        pltpu.VMEM((_BPW,), jnp.float32),
        pltpu.SemaphoreType.DMA,
    ],
)
def _pool_kernel(t_hbm, idx_hbm, out_hbm, idx_v, vals_v, res_v, sem):
    wid = lax.axis_index("s") * _NC + lax.axis_index("c")

    pltpu.sync_copy(idx_hbm.at[wid], idx_v)

    @pl.loop(0, _L, step=_GRP)
    def _gather(l0):
        for j in range(_GRP):
            pltpu.async_copy(
                t_hbm.at[idx_v.at[l0 + j]], vals_v.at[l0 + j], sem
            )
        for j in range(_GRP):
            pltpu.make_async_copy(
                t_hbm.at[idx_v.at[l0 + j]], vals_v.at[l0 + j], sem
            ).wait()

    def _acc(c, accs):
        return tuple(
            accs[j] + vals_v[c, pl.ds(j * _LANES, _LANES)] for j in range(8)
        )

    accs = lax.fori_loop(
        0, _L, _acc, tuple(jnp.zeros((_LANES,), jnp.float32) for _ in range(8))
    )

    for j in range(8):
        y = accs[j]
        res_v[pl.ds(j * _LANES, _LANES)] = 1.0 / (1.0 + jnp.exp(-y))

    pltpu.sync_copy(res_v, out_hbm.at[pl.ds(wid * _BPW, _BPW)])


def kernel(ids, table, W, b):
    w_scaled = (W * (1.0 / _L)).astype(jnp.float32)
    b_scaled = (b * (1.0 / _L)).reshape(1, 1).astype(jnp.float32)
    t = _fold_table(table, w_scaled, b_scaled).reshape(_VOCAB)
    idsp = ids.reshape(_NW, _BPW, _L).transpose(0, 2, 1)
    out = _pool_kernel(t, idsp)
    return out.reshape(_B, 1)

# --- scband reference (transcript-rebuilt; emitter-appended) ---
"""Pipeline reference for scband-nbow-50431505990099 (READ-ONLY COPY).

The authoritative reference and input builder live on the scoring server;
editing this copy changes nothing except your own understanding.
"""

import jax, jax.numpy as jnp
import numpy as np

VOCAB = 1000000
EMB = 64
OUT = 1
PAD = 0
B = 4096
L = 200


def setup_inputs(seed: int = 0) -> dict:
    key = jax.random.key(seed)
    k_ids, k_tab, k_w = jax.random.split(key, 3)
    ids = jax.random.randint(k_ids, (B, L), 0, VOCAB, dtype=jnp.int32)
    table = jax.random.normal(k_tab, (VOCAB, EMB), dtype=jnp.float32)
    # padding_idx row is initialized to zeros in nn.Embedding
    table = table.at[PAD].set(0.0)
    W = jax.random.normal(k_w, (OUT, EMB), dtype=jnp.float32) * 0.05
    b = jnp.zeros((OUT,), dtype=jnp.float32)
    return {"ids": ids, "table": table, "W": W, "b": b}


def reference(ids, table, W, b):
    # embedding lookup (gather)
    embedded = jnp.take(table, ids, axis=0)          # [B, L, EMB]
    pooled = embedded.mean(axis=1)                   # [B, EMB]
    prediction = pooled @ W.T + b                    # [B, OUT]
    return jax.nn.sigmoid(prediction)

if __name__ == "__main__":
    import jax
    _d = setup_inputs()
    print(jax.jit(kernel)(*tuple(_d.values())))

</pallas_src>

<mosaic_0001>
#map = affine_map<(d0, d1) -> (0)>
#map1 = affine_map<(d0, d1) -> (0, 0, 0)>
module attributes {stable_mosaic.version = 14 : i64} {
  func.func @_pool_kernel(%arg0: i32, %arg1: i32, %arg2: memref<1000000xf32, #tpu.memory_space<hbm>>, %arg3: memref<32x200x128xi32, #tpu.memory_space<hbm>>, %arg4: memref<4096xf32, #tpu.memory_space<hbm>>, %arg5: memref<200x128xi32, #tpu.memory_space<vmem>>, %arg6: memref<200x128xf32, #tpu.memory_space<vmem>>, %arg7: memref<128xf32, #tpu.memory_space<vmem>>, %arg8: memref<!tpu.dma_semaphore, #tpu.memory_space<semaphore_mem>>) attributes {dimension_semantics = [#tpu.dimension_semantics<core_parallel>, #tpu.dimension_semantics<subcore_parallel>], iteration_bounds = array<i64: 2, 16>, scalar_prefetch = 0 : i64, scratch_operands = 4 : i64, tpu.core_type = #tpu.core_type<sc_vector_subcore>, window_params = [{transform_indices = #map}, {transform_indices = #map1}, {transform_indices = #map}]} {
    %mul3A = arith.constant 2 : i32
    %mul3A_0 = arith.muli %arg1, %mul3A : i32
    %add3A = arith.addi %mul3A_0, %arg0 : i32
    "tpu.region"() ({
      %run_scoped3A = tpu.sem_alloc : memref<!tpu.dma_semaphore, #tpu.memory_space<semaphore_mem>>
      %dma_start3A = arith.constant 0 : i32
      %dma_start3A_136 = arith.constant 0 : i32
      %dma_start3A_137 = tpu.memref_slice %arg3[%add3A, %dma_start3A, %dma_start3A_136] : memref<32x200x128xi32, #tpu.memory_space<hbm>> -> memref<1x200x128xi32, #tpu.memory_space<hbm>>
      %dma_start3A_138 = tpu.memref_squeeze %dma_start3A_137 : memref<1x200x128xi32, #tpu.memory_space<hbm>> -> memref<200x128xi32, #tpu.memory_space<hbm>>
      %dma_start3A_139 = arith.constant 0 : i32
      %dma_start3A_140 = arith.constant 0 : i32
      %dma_start3A_141 = tpu.memref_slice %arg3[%add3A, %dma_start3A_139, %dma_start3A_140] : memref<32x200x128xi32, #tpu.memory_space<hbm>> -> memref<1x200x128xi32, #tpu.memory_space<hbm>>
      %dma_start3A_142 = tpu.memref_squeeze %dma_start3A_141 : memref<1x200x128xi32, #tpu.memory_space<hbm>> -> memref<200x128xi32, #tpu.memory_space<hbm>>
      tpu.enqueue_dma source(%dma_start3A_142 : memref<200x128xi32, #tpu.memory_space<hbm>>) target(%arg5 : memref<200x128xi32, #tpu.memory_space<vmem>>) target_semaphore(%run_scoped3A : memref<!tpu.dma_semaphore, #tpu.memory_space<semaphore_mem>>)
      %dma_wait3A = arith.constant 0 : i32
      %dma_wait3A_143 = arith.constant 0 : i32
      %dma_wait3A_144 = tpu.memref_slice %arg3[%add3A, %dma_wait3A, %dma_wait3A_143] : memref<32x200x128xi32, #tpu.memory_space<hbm>> -> memref<1x200x128xi32, #tpu.memory_space<hbm>>
      %dma_wait3A_145 = tpu.memref_squeeze %dma_wait3A_144 : memref<1x200x128xi32, #tpu.memory_space<hbm>> -> memref<200x128xi32, #tpu.memory_space<hbm>>
      %dma_wait3A_146 = arith.constant 0 : i32
      %dma_wait3A_147 = arith.constant 0 : i32
      %dma_wait3A_148 = tpu.memref_slice %arg3[%add3A, %dma_wait3A_146, %dma_wait3A_147] : memref<32x200x128xi32, #tpu.memory_space<hbm>> -> memref<1x200x128xi32, #tpu.memory_space<hbm>>
      %dma_wait3A_149 = tpu.memref_squeeze %dma_wait3A_148 : memref<1x200x128xi32, #tpu.memory_space<hbm>> -> memref<200x128xi32, #tpu.memory_space<hbm>>
      tpu.wait_dma2 semaphore(%run_scoped3A : memref<!tpu.dma_semaphore, #tpu.memory_space<semaphore_mem>>) src(%dma_wait3A_149 : memref<200x128xi32, #tpu.memory_space<hbm>>) dst(%arg5 : memref<200x128xi32, #tpu.memory_space<vmem>>)
      tpu.yield
    }) : () -> ()
    %scan3A = arith.constant 0 : i32
    %scan3A_1 = arith.constant 13 : i32
    %scan3A_2 = arith.addi %scan3A, %scan3A_1 : i32
    %scan3A_3 = arith.constant 1 : i32
    scf.for %scan3A_136 = %scan3A to %scan3A_2 step %scan3A_3  : i32 {
      %mul3A_137 = arith.constant 16 : i32
      %mul3A_138 = arith.muli %scan3A_136, %mul3A_137 : i32
      %add3A_139 = arith.constant 0 : i32
      %add3A_140 = arith.addi %add3A_139, %mul3A_138 : i32
      %add3A_141 = arith.constant 0 : i32
      %add3A_142 = arith.addi %add3A_140, %add3A_141 : i32
      %add3A_143 = arith.constant 0 : i32
      %add3A_144 = arith.addi %add3A_140, %add3A_143 : i32
      %dma_start3A = arith.constant 0 : i32
      %dma_start3A_145 = tpu.memref_slice %arg6[%add3A_144, %dma_start3A] : memref<200x128xf32, #tpu.memory_space<vmem>> -> memref<1x128xf32, #tpu.memory_space<vmem>>
      %dma_start3A_146 = tpu.memref_squeeze %dma_start3A_145 : memref<1x128xf32, #tpu.memory_space<vmem>> -> memref<128xf32, #tpu.memory_space<vmem>>
      %dma_start3A_147 = arith.constant 0 : i32
      %dma_start3A_148 = tpu.memref_slice %arg5[%add3A_142, %dma_start3A_147] : memref<200x128xi32, #tpu.memory_space<vmem>> -> memref<1x128xi32, #tpu.memory_space<vmem>>
      %dma_start3A_149 = tpu.memref_squeeze %dma_start3A_148 : memref<1x128xi32, #tpu.memory_space<vmem>> -> memref<128xi32, #tpu.memory_space<vmem>>
      %dma_start3A_150 = arith.constant 0 : i32
      %dma_start3A_151 = tpu.memref_slice %arg2[%dma_start3A_150] : memref<1000000xf32, #tpu.memory_space<hbm>> -> memref<1000000xf32, #tpu.memory_space<hbm>>
      tpu.enqueue_indirect_dma source(%dma_start3A_151 : memref<1000000xf32, #tpu.memory_space<hbm>>) target(%dma_start3A_146 : memref<128xf32, #tpu.memory_space<vmem>>) offsets(%dma_start3A_149 : memref<128xi32, #tpu.memory_space<vmem>>) semaphore(%arg8 : memref<!tpu.dma_semaphore, #tpu.memory_space<semaphore_mem>>)
      %add3A_152 = arith.constant 1 : i32
      %add3A_153 = arith.addi %add3A_140, %add3A_152 : i32
      %add3A_154 = arith.constant 1 : i32
      %add3A_155 = arith.addi %add3A_140, %add3A_154 : i32
      %dma_start3A_156 = arith.constant 0 : i32
      %dma_start3A_157 = tpu.memref_slice %arg6[%add3A_155, %dma_start3A_156] : memref<200x128xf32, #tpu.memory_space<vmem>> -> memref<1x128xf32, #tpu.memory_space<vmem>>
      %dma_start3A_158 = tpu.memref_squeeze %dma_start3A_157 : memref<1x128xf32, #tpu.memory_space<vmem>> -> memref<128xf32, #tpu.memory_space<vmem>>
      %dma_start3A_159 = arith.constant 0 : i32
      %dma_start3A_160 = tpu.memref_slice %arg5[%add3A_153, %dma_start3A_159] : memref<200x128xi32, #tpu.memory_space<vmem>> -> memref<1x128xi32, #tpu.memory_space<vmem>>
      %dma_start3A_161 = tpu.memref_squeeze %dma_start3A_160 : memref<1x128xi32, #tpu.memory_space<vmem>> -> memref<128xi32, #tpu.memory_space<vmem>>
      %dma_start3A_162 = arith.constant 0 : i32
      %dma_start3A_163 = tpu.memref_slice %arg2[%dma_start3A_162] : memref<1000000xf32, #tpu.memory_space<hbm>> -> memref<1000000xf32, #tpu.memory_space<hbm>>
      tpu.enqueue_indirect_dma source(%dma_start3A_163 : memref<1000000xf32, #tpu.memory_space<hbm>>) target(%dma_start3A_158 : memref<128xf32, #tpu.memory_space<vmem>>) offsets(%dma_start3A_161 : memref<128xi32, #tpu.memory_space<vmem>>) semaphore(%arg8 : memref<!tpu.dma_semaphore, #tpu.memory_space<semaphore_mem>>)
      %add3A_164 = arith.constant 2 : i32
      %add3A_165 = arith.addi %add3A_140, %add3A_164 : i32
      %add3A_166 = arith.constant 2 : i32
      %add3A_167 = arith.addi %add3A_140, %add3A_166 : i32
      %dma_start3A_168 = arith.constant 0 : i32
      %dma_start3A_169 = tpu.memref_slice %arg6[%add3A_167, %dma_start3A_168] : memref<200x128xf32, #tpu.memory_space<vmem>> -> memref<1x128xf32, #tpu.memory_space<vmem>>
      %dma_start3A_170 = tpu.memref_squeeze %dma_start3A_169 : memref<1x128xf32, #tpu.memory_space<vmem>> -> memref<128xf32, #tpu.memory_space<vmem>>
      %dma_start3A_171 = arith.constant 0 : i32
      %dma_start3A_172 = tpu.memref_slice %arg5[%add3A_165, %dma_start3A_171] : memref<200x128xi32, #tpu.memory_space<vmem>> -> memref<1x128xi32, #tpu.memory_space<vmem>>
      %dma_start3A_173 = tpu.memref_squeeze %dma_start3A_172 : memref<1x128xi32, #tpu.memory_space<vmem>> -> memref<128xi32, #tpu.memory_space<vmem>>
      %dma_start3A_174 = arith.constant 0 : i32
      %dma_start3A_175 = tpu.memref_slice %arg2[%dma_start3A_174] : memref<1000000xf32, #tpu.memory_space<hbm>> -> memref<1000000xf32, #tpu.memory_space<hbm>>
      tpu.enqueue_indirect_dma source(%dma_start3A_175 : memref<1000000xf32, #tpu.memory_space<hbm>>) target(%dma_start3A_170 : memref<128xf32, #tpu.memory_space<vmem>>) offsets(%dma_start3A_173 : memref<128xi32, #tpu.memory_space<vmem>>) semaphore(%arg8 : memref<!tpu.dma_semaphore, #tpu.memory_space<semaphore_mem>>)
      %add3A_176 = arith.constant 3 : i32
      %add3A_177 = arith.addi %add3A_140, %add3A_176 : i32
      %add3A_178 = arith.constant 3 : i32
      %add3A_179 = arith.addi %add3A_140, %add3A_178 : i32
      %dma_start3A_180 = arith.constant 0 : i32
      %dma_start3A_181 = tpu.memref_slice %arg6[%add3A_179, %dma_start3A_180] : memref<200x128xf32, #tpu.memory_space<vmem>> -> memref<1x128xf32, #tpu.memory_space<vmem>>
      %dma_start3A_182 = tpu.memref_squeeze %dma_start3A_181 : memref<1x128xf32, #tpu.memory_space<vmem>> -> memref<128xf32, #tpu.memory_space<vmem>>
      %dma_start3A_183 = arith.constant 0 : i32
      %dma_start3A_184 = tpu.memref_slice %arg5[%add3A_177, %dma_start3A_183] : memref<200x128xi32, #tpu.memory_space<vmem>> -> memref<1x128xi32, #tpu.memory_space<vmem>>
      %dma_start3A_185 = tpu.memref_squeeze %dma_start3A_184 : memref<1x128xi32, #tpu.memory_space<vmem>> -> memref<128xi32, #tpu.memory_space<vmem>>
      %dma_start3A_186 = arith.constant 0 : i32
      %dma_start3A_187 = tpu.memref_slice %arg2[%dma_start3A_186] : memref<1000000xf32, #tpu.memory_space<hbm>> -> memref<1000000xf32, #tpu.memory_space<hbm>>
      tpu.enqueue_indirect_dma source(%dma_start3A_187 : memref<1000000xf32, #tpu.memory_space<hbm>>) target(%dma_start3A_182 : memref<128xf32, #tpu.memory_space<vmem>>) offsets(%dma_start3A_185 : memref<128xi32, #tpu.memory_space<vmem>>) semaphore(%arg8 : memref<!tpu.dma_semaphore, #tpu.memory_space<semaphore_mem>>)
      %add3A_188 = arith.constant 4 : i32
      %add3A_189 = arith.addi %add3A_140, %add3A_188 : i32
      %add3A_190 = arith.constant 4 : i32
      %add3A_191 = arith.addi %add3A_140, %add3A_190 : i32
      %dma_start3A_192 = arith.constant 0 : i32
      %dma_start3A_193 = tpu.memref_slice %arg6[%add3A_191, %dma_start3A_192] : memref<200x128xf32, #tpu.memory_space<vmem>> -> memref<1x128xf32, #tpu.memory_space<vmem>>
      %dma_start3A_194 = tpu.memref_squeeze %dma_start3A_193 : memref<1x128xf32, #tpu.memory_space<vmem>> -> memref<128xf32, #tpu.memory_space<vmem>>
      %dma_start3A_195 = arith.constant 0 : i32
      %dma_start3A_196 = tpu.memref_slice %arg5[%add3A_189, %dma_start3A_195] : memref<200x128xi32, #tpu.memory_space<vmem>> -> memref<1x128xi32, #tpu.memory_space<vmem>>
      %dma_start3A_197 = tpu.memref_squeeze %dma_start3A_196 : memref<1x128xi32, #tpu.memory_space<vmem>> -> memref<128xi32, #tpu.memory_space<vmem>>
      %dma_start3A_198 = arith.constant 0 : i32
      %dma_start3A_199 = tpu.memref_slice %arg2[%dma_start3A_198] : memref<1000000xf32, #tpu.memory_space<hbm>> -> memref<1000000xf32, #tpu.memory_space<hbm>>
      tpu.enqueue_indirect_dma source(%dma_start3A_199 : memref<1000000xf32, #tpu.memory_space<hbm>>) target(%dma_start3A_194 : memref<128xf32, #tpu.memory_space<vmem>>) offsets(%dma_start3A_197 : memref<128xi32, #tpu.memory_space<vmem>>) semaphore(%arg8 : memref<!tpu.dma_semaphore, #tpu.memory_space<semaphore_mem>>)
      %add3A_200 = arith.constant 5 : i32
      %add3A_201 = arith.addi %add3A_140, %add3A_200 : i32
      %add3A_202 = arith.constant 5 : i32
      %add3A_203 = arith.addi %add3A_140, %add3A_202 : i32
      %dma_start3A_204 = arith.constant 0 : i32
      %dma_start3A_205 = tpu.memref_slice %arg6[%add3A_203, %dma_start3A_204] : memref<200x128xf32, #tpu.memory_space<vmem>> -> memref<1x128xf32, #tpu.memory_space<vmem>>
      %dma_start3A_206 = tpu.memref_squeeze %dma_start3A_205 : memref<1x128xf32, #tpu.memory_space<vmem>> -> memref<128xf32, #tpu.memory_space<vmem>>
      %dma_start3A_207 = arith.constant 0 : i32
      %dma_start3A_208 = tpu.memref_slice %arg5[%add3A_201, %dma_start3A_207] : memref<200x128xi32, #tpu.memory_space<vmem>> -> memref<1x128xi32, #tpu.memory_space<vmem>>
      %dma_start3A_209 = tpu.memref_squeeze %dma_start3A_208 : memref<1x128xi32, #tpu.memory_space<vmem>> -> memref<128xi32, #tpu.memory_space<vmem>>
      %dma_start3A_210 = arith.constant 0 : i32
      %dma_start3A_211 = tpu.memref_slice %arg2[%dma_start3A_210] : memref<1000000xf32, #tpu.memory_space<hbm>> -> memref<1000000xf32, #tpu.memory_space<hbm>>
      tpu.enqueue_indirect_dma source(%dma_start3A_211 : memref<1000000xf32, #tpu.memory_space<hbm>>) target(%dma_start3A_206 : memref<128xf32, #tpu.memory_space<vmem>>) offsets(%dma_start3A_209 : memref<128xi32, #tpu.memory_space<vmem>>) semaphore(%arg8 : memref<!tpu.dma_semaphore, #tpu.memory_space<semaphore_mem>>)
      %add3A_212 = arith.constant 6 : i32
      %add3A_213 = arith.addi %add3A_140, %add3A_212 : i32
      %add3A_214 = arith.constant 6 : i32
      %add3A_215 = arith.addi %add3A_140, %add3A_214 : i32
      %dma_start3A_216 = arith.constant 0 : i32
      %dma_start3A_217 = tpu.memref_slice %arg6[%add3A_215, %dma_start3A_216] : memref<200x128xf32, #tpu.memory_space<vmem>> -> memref<1x128xf32, #tpu.memory_space<vmem>>
      %dma_start3A_218 = tpu.memref_squeeze %dma_start3A_217 : memref<1x128xf32, #tpu.memory_space<vmem>> -> memref<128xf32, #tpu.memory_space<vmem>>
      %dma_start3A_219 = arith.constant 0 : i32
      %dma_start3A_220 = tpu.memref_slice %arg5[%add3A_213, %dma_start3A_219] : memref<200x128xi32, #tpu.memory_space<vmem>> -> memref<1x128xi32, #tpu.memory_space<vmem>>
      %dma_start3A_221 = tpu.memref_squeeze %dma_start3A_220 : memref<1x128xi32, #tpu.memory_space<vmem>> -> memref<128xi32, #tpu.memory_space<vmem>>
      %dma_start3A_222 = arith.constant 0 : i32
      %dma_start3A_223 = tpu.memref_slice %arg2[%dma_start3A_222] : memref<1000000xf32, #tpu.memory_space<hbm>> -> memref<1000000xf32, #tpu.memory_space<hbm>>
      tpu.enqueue_indirect_dma source(%dma_start3A_223 : memref<1000000xf32, #tpu.memory_space<hbm>>) target(%dma_start3A_218 : memref<128xf32, #tpu.memory_space<vmem>>) offsets(%dma_start3A_221 : memref<128xi32, #tpu.memory_space<vmem>>) semaphore(%arg8 : memref<!tpu.dma_semaphore, #tpu.memory_space<semaphore_mem>>)
      %add3A_224 = arith.constant 7 : i32
      %add3A_225 = arith.addi %add3A_140, %add3A_224 : i32
      %add3A_226 = arith.constant 7 : i32
      %add3A_227 = arith.addi %add3A_140, %add3A_226 : i32
      %dma_start3A_228 = arith.constant 0 : i32
      %dma_start3A_229 = tpu.memref_slice %arg6[%add3A_227, %dma_start3A_228] : memref<200x128xf32, #tpu.memory_space<vmem>> -> memref<1x128xf32, #tpu.memory_space<vmem>>
      %dma_start3A_230 = tpu.memref_squeeze %dma_start3A_229 : memref<1x128xf32, #tpu.memory_space<vmem>> -> memref<128xf32, #tpu.memory_space<vmem>>
      %dma_start3A_231 = arith.constant 0 : i32
      %dma_start3A_232 = tpu.memref_slice %arg5[%add3A_225, %dma_start3A_231] : memref<200x128xi32, #tpu.memory_space<vmem>> -> memref<1x128xi32, #tpu.memory_space<vmem>>
      %dma_start3A_233 = tpu.memref_squeeze %dma_start3A_232 : memref<1x128xi32, #tpu.memory_space<vmem>> -> memref<128xi32, #tpu.memory_space<vmem>>
      %dma_start3A_234 = arith.constant 0 : i32
      %dma_start3A_235 = tpu.memref_slice %arg2[%dma_start3A_234] : memref<1000000xf32, #tpu.memory_space<hbm>> -> memref<1000000xf32, #tpu.memory_space<hbm>>
      tpu.enqueue_indirect_dma source(%dma_start3A_235 : memref<1000000xf32, #tpu.memory_space<hbm>>) target(%dma_start3A_230 : memref<128xf32, #tpu.memory_space<vmem>>) offsets(%dma_start3A_233 : memref<128xi32, #tpu.memory_space<vmem>>) semaphore(%arg8 : memref<!tpu.dma_semaphore, #tpu.memory_space<semaphore_mem>>)
      %add3A_236 = arith.constant 8 : i32
      %add3A_237 = arith.addi %add3A_140, %add3A_236 : i32
      %add3A_238 = arith.constant 8 : i32
      %add3A_239 = arith.addi %add3A_140, %add3A_238 : i32
      %dma_start3A_240 = arith.constant 0 : i32
      %dma_start3A_241 = tpu.memref_slice %arg6[%add3A_239, %dma_start3A_240] : memref<200x128xf32, #tpu.memory_space<vmem>> -> memref<1x128xf32, #tpu.memory_space<vmem>>
      %dma_start3A_242 = tpu.memref_squeeze %dma_start3A_241 : memref<1x128xf32, #tpu.memory_space<vmem>> -> memref<128xf32, #tpu.memory_space<vmem>>
      %dma_start3A_243 = arith.constant 0 : i32
      %dma_start3A_244 = tpu.memref_slice %arg5[%add3A_237, %dma_start3A_243] : memref<200x128xi32, #tpu.memory_space<vmem>> -> memref<1x128xi32, #tpu.memory_space<vmem>>
      %dma_start3A_245 = tpu.memref_squeeze %dma_start3A_244 : memref<1x128xi32, #tpu.memory_space<vmem>> -> memref<128xi32, #tpu.memory_space<vmem>>
      %dma_start3A_246 = arith.constant 0 : i32
      %dma_start3A_247 = tpu.memref_slice %arg2[%dma_start3A_246] : memref<1000000xf32, #tpu.memory_space<hbm>> -> memref<1000000xf32, #tpu.memory_space<hbm>>
      tpu.enqueue_indirect_dma source(%dma_start3A_247 : memref<1000000xf32, #tpu.memory_space<hbm>>) target(%dma_start3A_242 : memref<128xf32, #tpu.memory_space<vmem>>) offsets(%dma_start3A_245 : memref<128xi32, #tpu.memory_space<vmem>>) semaphore(%arg8 : memref<!tpu.dma_semaphore, #tpu.memory_space<semaphore_mem>>)
      %add3A_248 = arith.constant 9 : i32
      %add3A_249 = arith.addi %add3A_140, %add3A_248 : i32
      %add3A_250 = arith.constant 9 : i32
      %add3A_251 = arith.addi %add3A_140, %add3A_250 : i32
      %dma_start3A_252 = arith.constant 0 : i32
      %dma_start3A_253 = tpu.memref_slice %arg6[%add3A_251, %dma_start3A_252] : memref<200x128xf32, #tpu.memory_space<vmem>> -> memref<1x128xf32, #tpu.memory_space<vmem>>
      %dma_start3A_254 = tpu.memref_squeeze %dma_start3A_253 : memref<1x128xf32, #tpu.memory_space<vmem>> -> memref<128xf32, #tpu.memory_space<vmem>>
      %dma_start3A_255 = arith.constant 0 : i32
      %dma_start3A_256 = tpu.memref_slice %arg5[%add3A_249, %dma_start3A_255] : memref<200x128xi32, #tpu.memory_space<vmem>> -> memref<1x128xi32, #tpu.memory_space<vmem>>
      %dma_start3A_257 = tpu.memref_squeeze %dma_start3A_256 : memref<1x128xi32, #tpu.memory_space<vmem>> -> memref<128xi32, #tpu.memory_space<vmem>>
      %dma_start3A_258 = arith.constant 0 : i32
      %dma_start3A_259 = tpu.memref_slice %arg2[%dma_start3A_258] : memref<1000000xf32, #tpu.memory_space<hbm>> -> memref<1000000xf32, #tpu.memory_space<hbm>>
      tpu.enqueue_indirect_dma source(%dma_start3A_259 : memref<1000000xf32, #tpu.memory_space<hbm>>) target(%dma_start3A_254 : memref<128xf32, #tpu.memory_space<vmem>>) offsets(%dma_start3A_257 : memref<128xi32, #tpu.memory_space<vmem>>) semaphore(%arg8 : memref<!tpu.dma_semaphore, #tpu.memory_space<semaphore_mem>>)
      %add3A_260 = arith.constant 10 : i32
      %add3A_261 = arith.addi %add3A_140, %add3A_260 : i32
      %add3A_262 = arith.constant 10 : i32
      %add3A_263 = arith.addi %add3A_140, %add3A_262 : i32
      %dma_start3A_264 = arith.constant 0 : i32
      %dma_start3A_265 = tpu.memref_slice %arg6[%add3A_263, %dma_start3A_264] : memref<200x128xf32, #tpu.memory_space<vmem>> -> memref<1x128xf32, #tpu.memory_space<vmem>>
      %dma_start3A_266 = tpu.memref_squeeze %dma_start3A_265 : memref<1x128xf32, #tpu.memory_space<vmem>> -> memref<128xf32, #tpu.memory_space<vmem>>
      %dma_start3A_267 = arith.constant 0 : i32
      %dma_start3A_268 = tpu.memref_slice %arg5[%add3A_261, %dma_start3A_267] : memref<200x128xi32, #tpu.memory_space<vmem>> -> memref<1x128xi32, #tpu.memory_space<vmem>>
      %dma_start3A_269 = tpu.memref_squeeze %dma_start3A_268 : memref<1x128xi32, #tpu.memory_space<vmem>> -> memref<128xi32, #tpu.memory_space<vmem>>
      %dma_start3A_270 = arith.constant 0 : i32
      %dma_start3A_271 = tpu.memref_slice %arg2[%dma_start3A_270] : memref<1000000xf32, #tpu.memory_space<hbm>> -> memref<1000000xf32, #tpu.memory_space<hbm>>
      tpu.enqueue_indirect_dma source(%dma_start3A_271 : memref<1000000xf32, #tpu.memory_space<hbm>>) target(%dma_start3A_266 : memref<128xf32, #tpu.memory_space<vmem>>) offsets(%dma_start3A_269 : memref<128xi32, #tpu.memory_space<vmem>>) semaphore(%arg8 : memref<!tpu.dma_semaphore, #tpu.memory_space<semaphore_mem>>)
      %add3A_272 = arith.constant 11 : i32
      %add3A_273 = arith.addi %add3A_140, %add3A_272 : i32
      %add3A_274 = arith.constant 11 : i32
      %add3A_275 = arith.addi %add3A_140, %add3A_274 : i32
      %dma_start3A_276 = arith.constant 0 : i32
      %dma_start3A_277 = tpu.memref_slice %arg6[%add3A_275, %dma_start3A_276] : memref<200x128xf32, #tpu.memory_space<vmem>> -> memref<1x128xf32, #tpu.memory_space<vmem>>
      %dma_start3A_278 = tpu.memref_squeeze %dma_start3A_277 : memref<1x128xf32, #tpu.memory_space<vmem>> -> memref<128xf32, #tpu.memory_space<vmem>>
      %dma_start3A_279 = arith.constant 0 : i32
      %dma_start3A_280 = tpu.memref_slice %arg5[%add3A_273, %dma_start3A_279] : memref<200x128xi32, #tpu.memory_space<vmem>> -> memref<1x128xi32, #tpu.memory_space<vmem>>
      %dma_start3A_281 = tpu.memref_squeeze %dma_start3A_280 : memref<1x128xi32, #tpu.memory_space<vmem>> -> memref<128xi32, #tpu.memory_space<vmem>>
      %dma_start3A_282 = arith.constant 0 : i32
      %dma_start3A_283 = tpu.memref_slice %arg2[%dma_start3A_282] : memref<1000000xf32, #tpu.memory_space<hbm>> -> memref<1000000xf32, #tpu.memory_space<hbm>>
      tpu.enqueue_indirect_dma source(%dma_start3A_283 : memref<1000000xf32, #tpu.memory_space<hbm>>) target(%dma_start3A_278 : memref<128xf32, #tpu.memory_space<vmem>>) offsets(%dma_start3A_281 : memref<128xi32, #tpu.memory_space<vmem>>) semaphore(%arg8 : memref<!tpu.dma_semaphore, #tpu.memory_space<semaphore_mem>>)
      %add3A_284 = arith.constant 12 : i32
      %add3A_285 = arith.addi %add3A_140, %add3A_284 : i32
      %add3A_286 = arith.constant 12 : i32
      %add3A_287 = arith.addi %add3A_140, %add3A_286 : i32
      %dma_start3A_288 = arith.constant 0 : i32
      %dma_start3A_289 = tpu.memref_slice %arg6[%add3A_287, %dma_start3A_288] : memref<200x128xf32, #tpu.memory_space<vmem>> -> memref<1x128xf32, #tpu.memory_space<vmem>>
      %dma_start3A_290 = tpu.memref_squeeze %dma_start3A_289 : memref<1x128xf32, #tpu.memory_space<vmem>> -> memref<128xf32, #tpu.memory_space<vmem>>
      %dma_start3A_291 = arith.constant 0 : i32
      %dma_start3A_292 = tpu.memref_slice %arg5[%add3A_285, %dma_start3A_291] : memref<200x128xi32, #tpu.memory_space<vmem>> -> memref<1x128xi32, #tpu.memory_space<vmem>>
      %dma_start3A_293 = tpu.memref_squeeze %dma_start3A_292 : memref<1x128xi32, #tpu.memory_space<vmem>> -> memref<128xi32, #tpu.memory_space<vmem>>
      %dma_start3A_294 = arith.constant 0 : i32
      %dma_start3A_295 = tpu.memref_slice %arg2[%dma_start3A_294] : memref<1000000xf32, #tpu.memory_space<hbm>> -> memref<1000000xf32, #tpu.memory_space<hbm>>
      tpu.enqueue_indirect_dma source(%dma_start3A_295 : memref<1000000xf32, #tpu.memory_space<hbm>>) target(%dma_start3A_290 : memref<128xf32, #tpu.memory_space<vmem>>) offsets(%dma_start3A_293 : memref<128xi32, #tpu.memory_space<vmem>>) semaphore(%arg8 : memref<!tpu.dma_semaphore, #tpu.memory_space<semaphore_mem>>)
      %add3A_296 = arith.constant 13 : i32
      %add3A_297 = arith.addi %add3A_140, %add3A_296 : i32
      %add3A_298 = arith.constant 13 : i32
      %add3A_299 = arith.addi %add3A_140, %add3A_298 : i32
      %dma_start3A_300 = arith.constant 0 : i32
      %dma_start3A_301 = tpu.memref_slice %arg6[%add3A_299, %dma_start3A_300] : memref<200x128xf32, #tpu.memory_space<vmem>> -> memref<1x128xf32, #tpu.memory_space<vmem>>
      %dma_start3A_302 = tpu.memref_squeeze %dma_start3A_301 : memref<1x128xf32, #tpu.memory_space<vmem>> -> memref<128xf32, #tpu.memory_space<vmem>>
      %dma_start3A_303 = arith.constant 0 : i32
      %dma_start3A_304 = tpu.memref_slice %arg5[%add3A_297, %dma_start3A_303] : memref<200x128xi32, #tpu.memory_space<vmem>> -> memref<1x128xi32, #tpu.memory_space<vmem>>
      %dma_start3A_305 = tpu.memref_squeeze %dma_start3A_304 : memref<1x128xi32, #tpu.memory_space<vmem>> -> memref<128xi32, #tpu.memory_space<vmem>>
      %dma_start3A_306 = arith.constant 0 : i32
      %dma_start3A_307 = tpu.memref_slice %arg2[%dma_start3A_306] : memref<1000000xf32, #tpu.memory_space<hbm>> -> memref<1000000xf32, #tpu.memory_space<hbm>>
      tpu.enqueue_indirect_dma source(%dma_start3A_307 : memref<1000000xf32, #tpu.memory_space<hbm>>) target(%dma_start3A_302 : memref<128xf32, #tpu.memory_space<vmem>>) offsets(%dma_start3A_305 : memref<128xi32, #tpu.memory_space<vmem>>) semaphore(%arg8 : memref<!tpu.dma_semaphore, #tpu.memory_space<semaphore_mem>>)
      %add3A_308 = arith.constant 14 : i32
      %add3A_309 = arith.addi %add3A_140, %add3A_308 : i32
      %add3A_310 = arith.constant 14 : i32
      %add3A_311 = arith.addi %add3A_140, %add3A_310 : i32
      %dma_start3A_312 = arith.constant 0 : i32
      %dma_start3A_313 = tpu.memref_slice %arg6[%add3A_311, %dma_start3A_312] : memref<200x128xf32, #tpu.memory_space<vmem>> -> memref<1x128xf32, #tpu.memory_space<vmem>>
      %dma_start3A_314 = tpu.memref_squeeze %dma_start3A_313 : memref<1x128xf32, #tpu.memory_space<vmem>> -> memref<128xf32, #tpu.memory_space<vmem>>
      %dma_start3A_315 = arith.constant 0 : i32
      %dma_start3A_316 = tpu.memref_slice %arg5[%add3A_309, %dma_start3A_315] : memref<200x128xi32, #tpu.memory_space<vmem>> -> memref<1x128xi32, #tpu.memory_space<vmem>>
      %dma_start3A_317 = tpu.memref_squeeze %dma_start3A_316 : memref<1x128xi32, #tpu.memory_space<vmem>> -> memref<128xi32, #tpu.memory_space<vmem>>
      %dma_start3A_318 = arith.constant 0 : i32
      %dma_start3A_319 = tpu.memref_slice %arg2[%dma_start3A_318] : memref<1000000xf32, #tpu.memory_space<hbm>> -> memref<1000000xf32, #tpu.memory_space<hbm>>
      tpu.enqueue_indirect_dma source(%dma_start3A_319 : memref<1000000xf32, #tpu.memory_space<hbm>>) target(%dma_start3A_314 : memref<128xf32, #tpu.memory_space<vmem>>) offsets(%dma_start3A_317 : memref<128xi32, #tpu.memory_space<vmem>>) semaphore(%arg8 : memref<!tpu.dma_semaphore, #tpu.memory_space<semaphore_mem>>)
      %add3A_320 = arith.constant 15 : i32
      %add3A_321 = arith.addi %add3A_140, %add3A_320 : i32
      %add3A_322 = arith.constant 15 : i32
      %add3A_323 = arith.addi %add3A_140, %add3A_322 : i32
      %dma_start3A_324 = arith.constant 0 : i32
      %dma_start3A_325 = tpu.memref_slice %arg6[%add3A_323, %dma_start3A_324] : memref<200x128xf32, #tpu.memory_space<vmem>> -> memref<1x128xf32, #tpu.memory_space<vmem>>
      %dma_start3A_326 = tpu.memref_squeeze %dma_start3A_325 : memref<1x128xf32, #tpu.memory_space<vmem>> -> memref<128xf32, #tpu.memory_space<vmem>>
      %dma_start3A_327 = arith.constant 0 : i32
      %dma_start3A_328 = tpu.memref_slice %arg5[%add3A_321, %dma_start3A_327] : memref<200x128xi32, #tpu.memory_space<vmem>> -> memref<1x128xi32, #tpu.memory_space<vmem>>
      %dma_start3A_329 = tpu.memref_squeeze %dma_start3A_328 : memref<1x128xi32, #tpu.memory_space<vmem>> -> memref<128xi32, #tpu.memory_space<vmem>>
      %dma_start3A_330 = arith.constant 0 : i32
      %dma_start3A_331 = tpu.memref_slice %arg2[%dma_start3A_330] : memref<1000000xf32, #tpu.memory_space<hbm>> -> memref<1000000xf32, #tpu.memory_space<hbm>>
      tpu.enqueue_indirect_dma source(%dma_start3A_331 : memref<1000000xf32, #tpu.memory_space<hbm>>) target(%dma_start3A_326 : memref<128xf32, #tpu.memory_space<vmem>>) offsets(%dma_start3A_329 : memref<128xi32, #tpu.memory_space<vmem>>) semaphore(%arg8 : memref<!tpu.dma_semaphore, #tpu.memory_space<semaphore_mem>>)
      %add3A_332 = arith.constant 0 : i32
      %add3A_333 = arith.addi %add3A_140, %add3A_332 : i32
      %add3A_334 = arith.constant 0 : i32
      %add3A_335 = arith.addi %add3A_140, %add3A_334 : i32
      %dma_wait3A = arith.constant 0 : i32
      %dma_wait3A_336 = tpu.memref_slice %arg6[%add3A_335, %dma_wait3A] : memref<200x128xf32, #tpu.memory_space<vmem>> -> memref<1x128xf32, #tpu.memory_space<vmem>>
      %dma_wait3A_337 = tpu.memref_squeeze %dma_wait3A_336 : memref<1x128xf32, #tpu.memory_space<vmem>> -> memref<128xf32, #tpu.memory_space<vmem>>
      %dma_wait3A_338 = arith.constant 0 : i32
      %dma_wait3A_339 = tpu.memref_slice %arg5[%add3A_333, %dma_wait3A_338] : memref<200x128xi32, #tpu.memory_space<vmem>> -> memref<1x128xi32, #tpu.memory_space<vmem>>
      %dma_wait3A_340 = tpu.memref_squeeze %dma_wait3A_339 : memref<1x128xi32, #tpu.memory_space<vmem>> -> memref<128xi32, #tpu.memory_space<vmem>>
      %dma_wait3A_341 = arith.constant 0 : i32
      %dma_wait3A_342 = tpu.memref_slice %arg2[%dma_wait3A_341] : memref<1000000xf32, #tpu.memory_space<hbm>> -> memref<1000000xf32, #tpu.memory_space<hbm>>
      tpu.wait_indirect_dma semaphore(%arg8 : memref<!tpu.dma_semaphore, #tpu.memory_space<semaphore_mem>>) src(%dma_wait3A_342 : memref<1000000xf32, #tpu.memory_space<hbm>>) dst(%dma_wait3A_337 : memref<128xf32, #tpu.memory_space<vmem>>)
      %add3A_343 = arith.constant 1 : i32
      %add3A_344 = arith.addi %add3A_140, %add3A_343 : i32
      %add3A_345 = arith.constant 1 : i32
      %add3A_346 = arith.addi %add3A_140, %add3A_345 : i32
      %dma_wait3A_347 = arith.constant 0 : i32
      %dma_wait3A_348 = tpu.memref_slice %arg6[%add3A_346, %dma_wait3A_347] : memref<200x128xf32, #tpu.memory_space<vmem>> -> memref<1x128xf32, #tpu.memory_space<vmem>>
      %dma_wait3A_349 = tpu.memref_squeeze %dma_wait3A_348 : memref<1x128xf32, #tpu.memory_space<vmem>> -> memref<128xf32, #tpu.memory_space<vmem>>
      %dma_wait3A_350 = arith.constant 0 : i32
      %dma_wait3A_351 = tpu.memref_slice %arg5[%add3A_344, %dma_wait3A_350] : memref<200x128xi32, #tpu.memory_space<vmem>> -> memref<1x128xi32, #tpu.memory_space<vmem>>
      %dma_wait3A_352 = tpu.memref_squeeze %dma_wait3A_351 : memref<1x128xi32, #tpu.memory_space<vmem>> -> memref<128xi32, #tpu.memory_space<vmem>>
      %dma_wait3A_353 = arith.constant 0 : i32
      %dma_wait3A_354 = tpu.memref_slice %arg2[%dma_wait3A_353] : memref<1000000xf32, #tpu.memory_space<hbm>> -> memref<1000000xf32, #tpu.memory_space<hbm>>
      tpu.wait_indirect_dma semaphore(%arg8 : memref<!tpu.dma_semaphore, #tpu.memory_space<semaphore_mem>>) src(%dma_wait3A_354 : memref<1000000xf32, #tpu.memory_space<hbm>>) dst(%dma_wait3A_349 : memref<128xf32, #tpu.memory_space<vmem>>)
      %add3A_355 = arith.constant 2 : i32
      %add3A_356 = arith.addi %add3A_140, %add3A_355 : i32
      %add3A_357 = arith.constant 2 : i32
      %add3A_358 = arith.addi %add3A_140, %add3A_357 : i32
      %dma_wait3A_359 = arith.constant 0 : i32
      %dma_wait3A_360 = tpu.memref_slice %arg6[%add3A_358, %dma_wait3A_359] : memref<200x128xf32, #tpu.memory_space<vmem>> -> memref<1x128xf32, #tpu.memory_space<vmem>>
      %dma_wait3A_361 = tpu.memref_squeeze %dma_wait3A_360 : memref<1x128xf32, #tpu.memory_space<vmem>> -> memref<128xf32, #tpu.memory_space<vmem>>
      %dma_wait3A_362 = arith.constant 0 : i32
      %dma_wait3A_363 = tpu.memref_slice %arg5[%add3A_356, %dma_wait3A_362] : memref<200x128xi32, #tpu.memory_space<vmem>> -> memref<1x128xi32, #tpu.memory_space<vmem>>
      %dma_wait3A_364 = tpu.memref_squeeze %dma_wait3A_363 : memref<1x128xi32, #tpu.memory_space<vmem>> -> memref<128xi32, #tpu.memory_space<vmem>>
      %dma_wait3A_365 = arith.constant 0 : i32
      %dma_wait3A_366 = tpu.memref_slice %arg2[%dma_wait3A_365] : memref<1000000xf32, #tpu.memory_space<hbm>> -> memref<1000000xf32, #tpu.memory_space<hbm>>
      tpu.wait_indirect_dma semaphore(%arg8 : memref<!tpu.dma_semaphore, #tpu.memory_space<semaphore_mem>>) src(%dma_wait3A_366 : memref<1000000xf32, #tpu.memory_space<hbm>>) dst(%dma_wait3A_361 : memref<128xf32, #tpu.memory_space<vmem>>)
      %add3A_367 = arith.constant 3 : i32
      %add3A_368 = arith.addi %add3A_140, %add3A_367 : i32
      %add3A_369 = arith.constant 3 : i32
      %add3A_370 = arith.addi %add3A_140, %add3A_369 : i32
      %dma_wait3A_371 = arith.constant 0 : i32
      %dma_wait3A_372 = tpu.memref_slice %arg6[%add3A_370, %dma_wait3A_371] : memref<200x128xf32, #tpu.memory_space<vmem>> -> memref<1x128xf32, #tpu.memory_space<vmem>>
      %dma_wait3A_373 = tpu.memref_squeeze %dma_wait3A_372 : memref<1x128xf32, #tpu.memory_space<vmem>> -> memref<128xf32, #tpu.memory_space<vmem>>
      %dma_wait3A_374 = arith.constant 0 : i32
      %dma_wait3A_375 = tpu.memref_slice %arg5[%add3A_368, %dma_wait3A_374] : memref<200x128xi32, #tpu.memory_space<vmem>> -> memref<1x128xi32, #tpu.memory_space<vmem>>
      %dma_wait3A_376 = tpu.memref_squeeze %dma_wait3A_375 : memref<1x128xi32, #tpu.memory_space<vmem>> -> memref<128xi32, #tpu.memory_space<vmem>>
      %dma_wait3A_377 = arith.constant 0 : i32
      %dma_wait3A_378 = tpu.memref_slice %arg2[%dma_wait3A_377] : memref<1000000xf32, #tpu.memory_space<hbm>> -> memref<1000000xf32, #tpu.memory_space<hbm>>
      tpu.wait_indirect_dma semaphore(%arg8 : memref<!tpu.dma_semaphore, #tpu.memory_space<semaphore_mem>>) src(%dma_wait3A_378 : memref<1000000xf32, #tpu.memory_space<hbm>>) dst(%dma_wait3A_373 : memref<128xf32, #tpu.memory_space<vmem>>)
      %add3A_379 = arith.constant 4 : i32
      %add3A_380 = arith.addi %add3A_140, %add3A_379 : i32
      %add3A_381 = arith.constant 4 : i32
      %add3A_382 = arith.addi %add3A_140, %add3A_381 : i32
      %dma_wait3A_383 = arith.constant 0 : i32
      %dma_wait3A_384 = tpu.memref_slice %arg6[%add3A_382, %dma_wait3A_383] : memref<200x128xf32, #tpu.memory_space<vmem>> -> memref<1x128xf32, #tpu.memory_space<vmem>>
      %dma_wait3A_385 = tpu.memref_squeeze %dma_wait3A_384 : memref<1x128xf32, #tpu.memory_space<vmem>> -> memref<128xf32, #tpu.memory_space<vmem>>
      %dma_wait3A_386 = arith.constant 0 : i32
      %dma_wait3A_387 = tpu.memref_slice %arg5[%add3A_380, %dma_wait3A_386] : memref<200x128xi32, #tpu.memory_space<vmem>> -> memref<1x128xi32, #tpu.memory_space<vmem>>
      %dma_wait3A_388 = tpu.memref_squeeze %dma_wait3A_387 : memref<1x128xi32, #tpu.memory_space<vmem>> -> memref<128xi32, #tpu.memory_space<vmem>>
      %dma_wait3A_389 = arith.constant 0 : i32
      %dma_wait3A_390 = tpu.memref_slice %arg2[%dma_wait3A_389] : memref<1000000xf32, #tpu.memory_space<hbm>> -> memref<1000000xf32, #tpu.memory_space<hbm>>
      tpu.wait_indirect_dma semaphore(%arg8 : memref<!tpu.dma_semaphore, #tpu.memory_space<semaphore_mem>>) src(%dma_wait3A_390 : memref<1000000xf32, #tpu.memory_space<hbm>>) dst(%dma_wait3A_385 : memref<128xf32, #tpu.memory_space<vmem>>)
      %add3A_391 = arith.constant 5 : i32
      %add3A_392 = arith.addi %add3A_140, %add3A_391 : i32
      %add3A_393 = arith.constant 5 : i32
      %add3A_394 = arith.addi %add3A_140, %add3A_393 : i32
      %dma_wait3A_395 = arith.constant 0 : i32
      %dma_wait3A_396 = tpu.memref_slice %arg6[%add3A_394, %dma_wait3A_395] : memref<200x128xf32, #tpu.memory_space<vmem>> -> memref<1x128xf32, #tpu.memory_space<vmem>>
      %dma_wait3A_397 = tpu.memref_squeeze %dma_wait3A_396 : memref<1x128xf32, #tpu.memory_space<vmem>> -> memref<128xf32, #tpu.memory_space<vmem>>
      %dma_wait3A_398 = arith.constant 0 : i32
      %dma_wait3A_399 = tpu.memref_slice %arg5[%add3A_392, %dma_wait3A_398] : memref<200x128xi32, #tpu.memory_space<vmem>> -> memref<1x128xi32, #tpu.memory_space<vmem>>
      %dma_wait3A_400 = tpu.memref_squeeze %dma_wait3A_399 : memref<1x128xi32, #tpu.memory_space<vmem>> -> memref<128xi32, #tpu.memory_space<vmem>>
      %dma_wait3A_401 = arith.constant 0 : i32
      %dma_wait3A_402 = tpu.memref_slice %arg2[%dma_wait3A_401] : memref<1000000xf32, #tpu.memory_space<hbm>> -> memref<1000000xf32, #tpu.memory_space<hbm>>
      tpu.wait_indirect_dma semaphore(%arg8 : memref<!tpu.dma_semaphore, #tpu.memory_space<semaphore_mem>>) src(%dma_wait3A_402 : memref<1000000xf32, #tpu.memory_space<hbm>>) dst(%dma_wait3A_397 : memref<128xf32, #tpu.memory_space<vmem>>)
      %add3A_403 = arith.constant 6 : i32
      %add3A_404 = arith.addi %add3A_140, %add3A_403 : i32
      %add3A_405 = arith.constant 6 : i32
      %add3A_406 = arith.addi %add3A_140, %add3A_405 : i32
      %dma_wait3A_407 = arith.constant 0 : i32
      %dma_wait3A_408 = tpu.memref_slice %arg6[%add3A_406, %dma_wait3A_407] : memref<200x128xf32, #tpu.memory_space<vmem>> -> memref<1x128xf32, #tpu.memory_space<vmem>>
      %dma_wait3A_409 = tpu.memref_squeeze %dma_wait3A_408 : memref<1x128xf32, #tpu.memory_space<vmem>> -> memref<128xf32, #tpu.memory_space<vmem>>
      %dma_wait3A_410 = arith.constant 0 : i32
      %dma_wait3A_411 = tpu.memref_slice %arg5[%add3A_404, %dma_wait3A_410] : memref<200x128xi32, #tpu.memory_space<vmem>> -> memref<1x128xi32, #tpu.memory_space<vmem>>
      %dma_wait3A_412 = tpu.memref_squeeze %dma_wait3A_411 : memref<1x128xi32, #tpu.memory_space<vmem>> -> memref<128xi32, #tpu.memory_space<vmem>>
      %dma_wait3A_413 = arith.constant 0 : i32
      %dma_wait3A_414 = tpu.memref_slice %arg2[%dma_wait3A_413] : memref<1000000xf32, #tpu.memory_space<hbm>> -> memref<1000000xf32, #tpu.memory_space<hbm>>
      tpu.wait_indirect_dma semaphore(%arg8 : memref<!tpu.dma_semaphore, #tpu.memory_space<semaphore_mem>>) src(%dma_wait3A_414 : memref<1000000xf32, #tpu.memory_space<hbm>>) dst(%dma_wait3A_409 : memref<128xf32, #tpu.memory_space<vmem>>)
      %add3A_415 = arith.constant 7 : i32
      %add3A_416 = arith.addi %add3A_140, %add3A_415 : i32
      %add3A_417 = arith.constant 7 : i32
      %add3A_418 = arith.addi %add3A_140, %add3A_417 : i32
      %dma_wait3A_419 = arith.constant 0 : i32
      %dma_wait3A_420 = tpu.memref_slice %arg6[%add3A_418, %dma_wait3A_419] : memref<200x128xf32, #tpu.memory_space<vmem>> -> memref<1x128xf32, #tpu.memory_space<vmem>>
      %dma_wait3A_421 = tpu.memref_squeeze %dma_wait3A_420 : memref<1x128xf32, #tpu.memory_space<vmem>> -> memref<128xf32, #tpu.memory_space<vmem>>
      %dma_wait3A_422 = arith.constant 0 : i32
      %dma_wait3A_423 = tpu.memref_slice %arg5[%add3A_416, %dma_wait3A_422] : memref<200x128xi32, #tpu.memory_space<vmem>> -> memref<1x128xi32, #tpu.memory_space<vmem>>
      %dma_wait3A_424 = tpu.memref_squeeze %dma_wait3A_423 : memref<1x128xi32, #tpu.memory_space<vmem>> -> memref<128xi32, #tpu.memory_space<vmem>>
      %dma_wait3A_425 = arith.constant 0 : i32
      %dma_wait3A_426 = tpu.memref_slice %arg2[%dma_wait3A_425] : memref<1000000xf32, #tpu.memory_space<hbm>> -> memref<1000000xf32, #tpu.memory_space<hbm>>
      tpu.wait_indirect_dma semaphore(%arg8 : memref<!tpu.dma_semaphore, #tpu.memory_space<semaphore_mem>>) src(%dma_wait3A_426 : memref<1000000xf32, #tpu.memory_space<hbm>>) dst(%dma_wait3A_421 : memref<128xf32, #tpu.memory_space<vmem>>)
      %add3A_427 = arith.constant 8 : i32
      %add3A_428 = arith.addi %add3A_140, %add3A_427 : i32
      %add3A_429 = arith.constant 8 : i32
      %add3A_430 = arith.addi %add3A_140, %add3A_429 : i32
      %dma_wait3A_431 = arith.constant 0 : i32
      %dma_wait3A_432 = tpu.memref_slice %arg6[%add3A_430, %dma_wait3A_431] : memref<200x128xf32, #tpu.memory_space<vmem>> -> memref<1x128xf32, #tpu.memory_space<vmem>>
      %dma_wait3A_433 = tpu.memref_squeeze %dma_wait3A_432 : memref<1x128xf32, #tpu.memory_space<vmem>> -> memref<128xf32, #tpu.memory_space<vmem>>
      %dma_wait3A_434 = arith.constant 0 : i32
      %dma_wait3A_435 = tpu.memref_slice %arg5[%add3A_428, %dma_wait3A_434] : memref<200x128xi32, #tpu.memory_space<vmem>> -> memref<1x128xi32, #tpu.memory_space<vmem>>
      %dma_wait3A_436 = tpu.memref_squeeze %dma_wait3A_435 : memref<1x128xi32, #tpu.memory_space<vmem>> -> memref<128xi32, #tpu.memory_space<vmem>>
      %dma_wait3A_437 = arith.constant 0 : i32
      %dma_wait3A_438 = tpu.memref_slice %arg2[%dma_wait3A_437] : memref<1000000xf32, #tpu.memory_space<hbm>> -> memref<1000000xf32, #tpu.memory_space<hbm>>
      tpu.wait_indirect_dma semaphore(%arg8 : memref<!tpu.dma_semaphore, #tpu.memory_space<semaphore_mem>>) src(%dma_wait3A_438 : memref<1000000xf32, #tpu.memory_space<hbm>>) dst(%dma_wait3A_433 : memref<128xf32, #tpu.memory_space<vmem>>)
      %add3A_439 = arith.constant 9 : i32
      %add3A_440 = arith.addi %add3A_140, %add3A_439 : i32
      %add3A_441 = arith.constant 9 : i32
      %add3A_442 = arith.addi %add3A_140, %add3A_441 : i32
      %dma_wait3A_443 = arith.constant 0 : i32
      %dma_wait3A_444 = tpu.memref_slice %arg6[%add3A_442, %dma_wait3A_443] : memref<200x128xf32, #tpu.memory_space<vmem>> -> memref<1x128xf32, #tpu.memory_space<vmem>>
      %dma_wait3A_445 = tpu.memref_squeeze %dma_wait3A_444 : memref<1x128xf32, #tpu.memory_space<vmem>> -> memref<128xf32, #tpu.memory_space<vmem>>
      %dma_wait3A_446 = arith.constant 0 : i32
      %dma_wait3A_447 = tpu.memref_slice %arg5[%add3A_440, %dma_wait3A_446] : memref<200x128xi32, #tpu.memory_space<vmem>> -> memref<1x128xi32, #tpu.memory_space<vmem>>
      %dma_wait3A_448 = tpu.memref_squeeze %dma_wait3A_447 : memref<1x128xi32, #tpu.memory_space<vmem>> -> memref<128xi32, #tpu.memory_space<vmem>>
      %dma_wait3A_449 = arith.constant 0 : i32
      %dma_wait3A_450 = tpu.memref_slice %arg2[%dma_wait3A_449] : memref<1000000xf32, #tpu.memory_space<hbm>> -> memref<1000000xf32, #tpu.memory_space<hbm>>
      tpu.wait_indirect_dma semaphore(%arg8 : memref<!tpu.dma_semaphore, #tpu.memory_space<semaphore_mem>>) src(%dma_wait3A_450 : memref<1000000xf32, #tpu.memory_space<hbm>>) dst(%dma_wait3A_445 : memref<128xf32, #tpu.memory_space<vmem>>)
      %add3A_451 = arith.constant 10 : i32
      %add3A_452 = arith.addi %add3A_140, %add3A_451 : i32
      %add3A_453 = arith.constant 10 : i32
      %add3A_454 = arith.addi %add3A_140, %add3A_453 : i32
      %dma_wait3A_455 = arith.constant 0 : i32
      %dma_wait3A_456 = tpu.memref_slice %arg6[%add3A_454, %dma_wait3A_455] : memref<200x128xf32, #tpu.memory_space<vmem>> -> memref<1x128xf32, #tpu.memory_space<vmem>>
      %dma_wait3A_457 = tpu.memref_squeeze %dma_wait3A_456 : memref<1x128xf32, #tpu.memory_space<vmem>> -> memref<128xf32, #tpu.memory_space<vmem>>
      %dma_wait3A_458 = arith.constant 0 : i32
      %dma_wait3A_459 = tpu.memref_slice %arg5[%add3A_452, %dma_wait3A_458] : memref<200x128xi32, #tpu.memory_space<vmem>> -> memref<1x128xi32, #tpu.memory_space<vmem>>
      %dma_wait3A_460 = tpu.memref_squeeze %dma_wait3A_459 : memref<1x128xi32, #tpu.memory_space<vmem>> -> memref<128xi32, #tpu.memory_space<vmem>>
      %dma_wait3A_461 = arith.constant 0 : i32
      %dma_wait3A_462 = tpu.memref_slice %arg2[%dma_wait3A_461] : memref<1000000xf32, #tpu.memory_space<hbm>> -> memref<1000000xf32, #tpu.memory_space<hbm>>
      tpu.wait_indirect_dma semaphore(%arg8 : memref<!tpu.dma_semaphore, #tpu.memory_space<semaphore_mem>>) src(%dma_wait3A_462 : memref<1000000xf32, #tpu.memory_space<hbm>>) dst(%dma_wait3A_457 : memref<128xf32, #tpu.memory_space<vmem>>)
      %add3A_463 = arith.constant 11 : i32
      %add3A_464 = arith.addi %add3A_140, %add3A_463 : i32
      %add3A_465 = arith.constant 11 : i32
      %add3A_466 = arith.addi %add3A_140, %add3A_465 : i32
      %dma_wait3A_467 = arith.constant 0 : i32
      %dma_wait3A_468 = tpu.memref_slice %arg6[%add3A_466, %dma_wait3A_467] : memref<200x128xf32, #tpu.memory_space<vmem>> -> memref<1x128xf32, #tpu.memory_space<vmem>>
      %dma_wait3A_469 = tpu.memref_squeeze %dma_wait3A_468 : memref<1x128xf32, #tpu.memory_space<vmem>> -> memref<128xf32, #tpu.memory_space<vmem>>
      %dma_wait3A_470 = arith.constant 0 : i32
      %dma_wait3A_471 = tpu.memref_slice %arg5[%add3A_464, %dma_wait3A_470] : memref<200x128xi32, #tpu.memory_space<vmem>> -> memref<1x128xi32, #tpu.memory_space<vmem>>
      %dma_wait3A_472 = tpu.memref_squeeze %dma_wait3A_471 : memref<1x128xi32, #tpu.memory_space<vmem>> -> memref<128xi32, #tpu.memory_space<vmem>>
      %dma_wait3A_473 = arith.constant 0 : i32
      %dma_wait3A_474 = tpu.memref_slice %arg2[%dma_wait3A_473] : memref<1000000xf32, #tpu.memory_space<hbm>> -> memref<1000000xf32, #tpu.memory_space<hbm>>
      tpu.wait_indirect_dma semaphore(%arg8 : memref<!tpu.dma_semaphore, #tpu.memory_space<semaphore_mem>>) src(%dma_wait3A_474 : memref<1000000xf32, #tpu.memory_space<hbm>>) dst(%dma_wait3A_469 : memref<128xf32, #tpu.memory_space<vmem>>)
      %add3A_475 = arith.constant 12 : i32
      %add3A_476 = arith.addi %add3A_140, %add3A_475 : i32
      %add3A_477 = arith.constant 12 : i32
      %add3A_478 = arith.addi %add3A_140, %add3A_477 : i32
      %dma_wait3A_479 = arith.constant 0 : i32
      %dma_wait3A_480 = tpu.memref_slice %arg6[%add3A_478, %dma_wait3A_479] : memref<200x128xf32, #tpu.memory_space<vmem>> -> memref<1x128xf32, #tpu.memory_space<vmem>>
      %dma_wait3A_481 = tpu.memref_squeeze %dma_wait3A_480 : memref<1x128xf32, #tpu.memory_space<vmem>> -> memref<128xf32, #tpu.memory_space<vmem>>
      %dma_wait3A_482 = arith.constant 0 : i32
      %dma_wait3A_483 = tpu.memref_slice %arg5[%add3A_476, %dma_wait3A_482] : memref<200x128xi32, #tpu.memory_space<vmem>> -> memref<1x128xi32, #tpu.memory_space<vmem>>
      %dma_wait3A_484 = tpu.memref_squeeze %dma_wait3A_483 : memref<1x128xi32, #tpu.memory_space<vmem>> -> memref<128xi32, #tpu.memory_space<vmem>>
      %dma_wait3A_485 = arith.constant 0 : i32
      %dma_wait3A_486 = tpu.memref_slice %arg2[%dma_wait3A_485] : memref<1000000xf32, #tpu.memory_space<hbm>> -> memref<1000000xf32, #tpu.memory_space<hbm>>
      tpu.wait_indirect_dma semaphore(%arg8 : memref<!tpu.dma_semaphore, #tpu.memory_space<semaphore_mem>>) src(%dma_wait3A_486 : memref<1000000xf32, #tpu.memory_space<hbm>>) dst(%dma_wait3A_481 : memref<128xf32, #tpu.memory_space<vmem>>)
      %add3A_487 = arith.constant 13 : i32
      %add3A_488 = arith.addi %add3A_140, %add3A_487 : i32
      %add3A_489 = arith.constant 13 : i32
      %add3A_490 = arith.addi %add3A_140, %add3A_489 : i32
      %dma_wait3A_491 = arith.constant 0 : i32
      %dma_wait3A_492 = tpu.memref_slice %arg6[%add3A_490, %dma_wait3A_491] : memref<200x128xf32, #tpu.memory_space<vmem>> -> memref<1x128xf32, #tpu.memory_space<vmem>>
      %dma_wait3A_493 = tpu.memref_squeeze %dma_wait3A_492 : memref<1x128xf32, #tpu.memory_space<vmem>> -> memref<128xf32, #tpu.memory_space<vmem>>
      %dma_wait3A_494 = arith.constant 0 : i32
      %dma_wait3A_495 = tpu.memref_slice %arg5[%add3A_488, %dma_wait3A_494] : memref<200x128xi32, #tpu.memory_space<vmem>> -> memref<1x128xi32, #tpu.memory_space<vmem>>
      %dma_wait3A_496 = tpu.memref_squeeze %dma_wait3A_495 : memref<1x128xi32, #tpu.memory_space<vmem>> -> memref<128xi32, #tpu.memory_space<vmem>>
      %dma_wait3A_497 = arith.constant 0 : i32
      %dma_wait3A_498 = tpu.memref_slice %arg2[%dma_wait3A_497] : memref<1000000xf32, #tpu.memory_space<hbm>> -> memref<1000000xf32, #tpu.memory_space<hbm>>
      tpu.wait_indirect_dma semaphore(%arg8 : memref<!tpu.dma_semaphore, #tpu.memory_space<semaphore_mem>>) src(%dma_wait3A_498 : memref<1000000xf32, #tpu.memory_space<hbm>>) dst(%dma_wait3A_493 : memref<128xf32, #tpu.memory_space<vmem>>)
      %add3A_499 = arith.constant 14 : i32
      %add3A_500 = arith.addi %add3A_140, %add3A_499 : i32
      %add3A_501 = arith.constant 14 : i32
      %add3A_502 = arith.addi %add3A_140, %add3A_501 : i32
      %dma_wait3A_503 = arith.constant 0 : i32
      %dma_wait3A_504 = tpu.memref_slice %arg6[%add3A_502, %dma_wait3A_503] : memref<200x128xf32, #tpu.memory_space<vmem>> -> memref<1x128xf32, #tpu.memory_space<vmem>>
      %dma_wait3A_505 = tpu.memref_squeeze %dma_wait3A_504 : memref<1x128xf32, #tpu.memory_space<vmem>> -> memref<128xf32, #tpu.memory_space<vmem>>
      %dma_wait3A_506 = arith.constant 0 : i32
      %dma_wait3A_507 = tpu.memref_slice %arg5[%add3A_500, %dma_wait3A_506] : memref<200x128xi32, #tpu.memory_space<vmem>> -> memref<1x128xi32, #tpu.memory_space<vmem>>
      %dma_wait3A_508 = tpu.memref_squeeze %dma_wait3A_507 : memref<1x128xi32, #tpu.memory_space<vmem>> -> memref<128xi32, #tpu.memory_space<vmem>>
      %dma_wait3A_509 = arith.constant 0 : i32
      %dma_wait3A_510 = tpu.memref_slice %arg2[%dma_wait3A_509] : memref<1000000xf32, #tpu.memory_space<hbm>> -> memref<1000000xf32, #tpu.memory_space<hbm>>
      tpu.wait_indirect_dma semaphore(%arg8 : memref<!tpu.dma_semaphore, #tpu.memory_space<semaphore_mem>>) src(%dma_wait3A_510 : memref<1000000xf32, #tpu.memory_space<hbm>>) dst(%dma_wait3A_505 : memref<128xf32, #tpu.memory_space<vmem>>)
      %add3A_511 = arith.constant 15 : i32
      %add3A_512 = arith.addi %add3A_140, %add3A_511 : i32
      %add3A_513 = arith.constant 15 : i32
      %add3A_514 = arith.addi %add3A_140, %add3A_513 : i32
      %dma_wait3A_515 = arith.constant 0 : i32
      %dma_wait3A_516 = tpu.memref_slice %arg6[%add3A_514, %dma_wait3A_515] : memref<200x128xf32, #tpu.memory_space<vmem>> -> memref<1x128xf32, #tpu.memory_space<vmem>>
      %dma_wait3A_517 = tpu.memref_squeeze %dma_wait3A_516 : memref<1x128xf32, #tpu.memory_space<vmem>> -> memref<128xf32, #tpu.memory_space<vmem>>
      %dma_wait3A_518 = arith.constant 0 : i32
      %dma_wait3A_519 = tpu.memref_slice %arg5[%add3A_512, %dma_wait3A_518] : memref<200x128xi32, #tpu.memory_space<vmem>> -> memref<1x128xi32, #tpu.memory_space<vmem>>
      %dma_wait3A_520 = tpu.memref_squeeze %dma_wait3A_519 : memref<1x128xi32, #tpu.memory_space<vmem>> -> memref<128xi32, #tpu.memory_space<vmem>>
      %dma_wait3A_521 = arith.constant 0 : i32
      %dma_wait3A_522 = tpu.memref_slice %arg2[%dma_wait3A_521] : memref<1000000xf32, #tpu.memory_space<hbm>> -> memref<1000000xf32, #tpu.memory_space<hbm>>
      tpu.wait_indirect_dma semaphore(%arg8 : memref<!tpu.dma_semaphore, #tpu.memory_space<semaphore_mem>>) src(%dma_wait3A_522 : memref<1000000xf32, #tpu.memory_space<hbm>>) dst(%dma_wait3A_517 : memref<128xf32, #tpu.memory_space<vmem>>)
    }
    %scan3A_4 = arith.constant 13 : i32
    %broadcast_in_dim3A = arith.constant 0.000000e+00 : f32
    %broadcast_in_dim3A_5 = vector.broadcast %broadcast_in_dim3A : f32 to vector<16xf32>
    %broadcast_in_dim3A_6 = arith.constant 0.000000e+00 : f32
    %broadcast_in_dim3A_7 = vector.broadcast %broadcast_in_dim3A_6 : f32 to vector<16xf32>
    %broadcast_in_dim3A_8 = arith.constant 0.000000e+00 : f32
    %broadcast_in_dim3A_9 = vector.broadcast %broadcast_in_dim3A_8 : f32 to vector<16xf32>
    %broadcast_in_dim3A_10 = arith.constant 0.000000e+00 : f32
    %broadcast_in_dim3A_11 = vector.broadcast %broadcast_in_dim3A_10 : f32 to vector<16xf32>
    %broadcast_in_dim3A_12 = arith.constant 0.000000e+00 : f32
    %broadcast_in_dim3A_13 = vector.broadcast %broadcast_in_dim3A_12 : f32 to vector<16xf32>
    %broadcast_in_dim3A_14 = arith.constant 0.000000e+00 : f32
    %broadcast_in_dim3A_15 = vector.broadcast %broadcast_in_dim3A_14 : f32 to vector<16xf32>
    %broadcast_in_dim3A_16 = arith.constant 0.000000e+00 : f32
    %broadcast_in_dim3A_17 = vector.broadcast %broadcast_in_dim3A_16 : f32 to vector<16xf32>
    %broadcast_in_dim3A_18 = arith.constant 0.000000e+00 : f32
    %broadcast_in_dim3A_19 = vector.broadcast %broadcast_in_dim3A_18 : f32 to vector<16xf32>
    %scan3A_20 = arith.constant 0 : i32
    %scan3A_21 = arith.constant 200 : i32
    %scan3A_22 = arith.addi %scan3A_20, %scan3A_21 : i32
    %scan3A_23 = arith.constant 1 : i32
    %scan3A_24:8 = scf.for %scan3A_136 = %scan3A_20 to %scan3A_22 step %scan3A_23 iter_args(%scan3A_137 = %broadcast_in_dim3A_5, %scan3A_138 = %broadcast_in_dim3A_7, %scan3A_139 = %broadcast_in_dim3A_9, %scan3A_140 = %broadcast_in_dim3A_11, %scan3A_141 = %broadcast_in_dim3A_13, %scan3A_142 = %broadcast_in_dim3A_15, %scan3A_143 = %broadcast_in_dim3A_17, %scan3A_144 = %broadcast_in_dim3A_19) -> (vector<16xf32>, vector<16xf32>, vector<16xf32>, vector<16xf32>, vector<16xf32>, vector<16xf32>, vector<16xf32>, vector<16xf32>)  : i32 {
      %get3A = arith.index_cast %scan3A_136 : i32 to index
      %get3A_145 = arith.constant 0 : index
      %get3A_146 = tpu.vector_load %arg6[%get3A, %get3A_145] {strides = array<i32>} : memref<200x128xf32, #tpu.memory_space<vmem>>, vector<1x16xf32>,
      %get3A_147 = vector.shape_cast %get3A_146 : vector<1x16xf32> to vector<16xf32>
      %add3A_148 = arith.addf %scan3A_137, %get3A_147 : vector<16xf32>
      %get3A_149 = arith.index_cast %scan3A_136 : i32 to index
      %get3A_150 = arith.constant 16 : index
      %get3A_151 = tpu.vector_load %arg6[%get3A_149, %get3A_150] {strides = array<i32>} : memref<200x128xf32, #tpu.memory_space<vmem>>, vector<1x16xf32>,
      %get3A_152 = vector.shape_cast %get3A_151 : vector<1x16xf32> to vector<16xf32>
      %add3A_153 = arith.addf %scan3A_138, %get3A_152 : vector<16xf32>
      %get3A_154 = arith.index_cast %scan3A_136 : i32 to index
      %get3A_155 = arith.constant 32 : index
      %get3A_156 = tpu.vector_load %arg6[%get3A_154, %get3A_155] {strides = array<i32>} : memref<200x128xf32, #tpu.memory_space<vmem>>, vector<1x16xf32>,
      %get3A_157 = vector.shape_cast %get3A_156 : vector<1x16xf32> to vector<16xf32>
      %add3A_158 = arith.addf %scan3A_139, %get3A_157 : vector<16xf32>
      %get3A_159 = arith.index_cast %scan3A_136 : i32 to index
      %get3A_160 = arith.constant 48 : index
      %get3A_161 = tpu.vector_load %arg6[%get3A_159, %get3A_160] {strides = array<i32>} : memref<200x128xf32, #tpu.memory_space<vmem>>, vector<1x16xf32>,
      %get3A_162 = vector.shape_cast %get3A_161 : vector<1x16xf32> to vector<16xf32>
      %add3A_163 = arith.addf %scan3A_140, %get3A_162 : vector<16xf32>
      %get3A_164 = arith.index_cast %scan3A_136 : i32 to index
      %get3A_165 = arith.constant 64 : index
      %get3A_166 = tpu.vector_load %arg6[%get3A_164, %get3A_165] {strides = array<i32>} : memref<200x128xf32, #tpu.memory_space<vmem>>, vector<1x16xf32>,
      %get3A_167 = vector.shape_cast %get3A_166 : vector<1x16xf32> to vector<16xf32>
      %add3A_168 = arith.addf %scan3A_141, %get3A_167 : vector<16xf32>
      %get3A_169 = arith.index_cast %scan3A_136 : i32 to index
      %get3A_170 = arith.constant 80 : index
      %get3A_171 = tpu.vector_load %arg6[%get3A_169, %get3A_170] {strides = array<i32>} : memref<200x128xf32, #tpu.memory_space<vmem>>, vector<1x16xf32>,
      %get3A_172 = vector.shape_cast %get3A_171 : vector<1x16xf32> to vector<16xf32>
      %add3A_173 = arith.addf %scan3A_142, %get3A_172 : vector<16xf32>
      %get3A_174 = arith.index_cast %scan3A_136 : i32 to index
      %get3A_175 = arith.constant 96 : index
      %get3A_176 = tpu.vector_load %arg6[%get3A_174, %get3A_175] {strides = array<i32>} : memref<200x128xf32, #tpu.memory_space<vmem>>, vector<1x16xf32>,
      %get3A_177 = vector.shape_cast %get3A_176 : vector<1x16xf32> to vector<16xf32>
      %add3A_178 = arith.addf %scan3A_143, %get3A_177 : vector<16xf32>
      %get3A_179 = arith.index_cast %scan3A_136 : i32 to index
      %get3A_180 = arith.constant 112 : index
      %get3A_181 = tpu.vector_load %arg6[%get3A_179, %get3A_180] {strides = array<i32>} : memref<200x128xf32, #tpu.memory_space<vmem>>, vector<1x16xf32>,
      %get3A_182 = vector.shape_cast %get3A_181 : vector<1x16xf32> to vector<16xf32>
      %add3A_183 = arith.addf %scan3A_144, %get3A_182 : vector<16xf32>
      scf.yield %add3A_148, %add3A_153, %add3A_158, %add3A_163, %add3A_168, %add3A_173, %add3A_178, %add3A_183 : vector<16xf32>, vector<16xf32>, vector<16xf32>, vector<16xf32>, vector<16xf32>, vector<16xf32>, vector<16xf32>, vector<16xf32>
    }
    %scan3A_25 = arith.constant 200 : i32
    %neg3A = arith.constant 0.000000e+00 : f32
    %neg3A_26 = vector.broadcast %neg3A : f32 to vector<16xf32>
    %neg3A_27 = arith.subf %neg3A_26, %scan3A_24#0 : vector<16xf32>
    %exp3A = math.exp %neg3A_27 : vector<16xf32>
    %add3A_28 = arith.constant 1.000000e+00 : f32
    %add3A_29 = vector.broadcast %add3A_28 : f32 to vector<16xf32>
    %add3A_30 = arith.addf %add3A_29, %exp3A : vector<16xf32>
    %div3A = arith.constant 1.000000e+00 : f32
    %div3A_31 = vector.broadcast %div3A : f32 to vector<16xf32>
    %div3A_32 = arith.divf %div3A_31, %add3A_30 : vector<16xf32>
    %swap3A = arith.constant 0 : index
    %swap3A_33 = tpu.vector_load %arg7[%swap3A] {strides = array<i32>} : memref<128xf32, #tpu.memory_space<vmem>>, vector<16xf32>,
    %swap3A_34 = vector.shape_cast %swap3A_33 : vector<16xf32> to vector<16xf32>
    %swap3A_35 = vector.shape_cast %div3A_32 : vector<16xf32> to vector<16xf32>
    tpu.vector_store %arg7[%swap3A], %swap3A_35 {strides = array<i32>} : memref<128xf32, #tpu.memory_space<vmem>>, vector<16xf32>,
    %neg3A_36 = arith.constant 0.000000e+00 : f32
    %neg3A_37 = vector.broadcast %neg3A_36 : f32 to vector<16xf32>
    %neg3A_38 = arith.subf %neg3A_37, %scan3A_24#1 : vector<16xf32>
    %exp3A_39 = math.exp %neg3A_38 : vector<16xf32>
    %add3A_40 = arith.constant 1.000000e+00 : f32
    %add3A_41 = vector.broadcast %add3A_40 : f32 to vector<16xf32>
    %add3A_42 = arith.addf %add3A_41, %exp3A_39 : vector<16xf32>
    %div3A_43 = arith.constant 1.000000e+00 : f32
    %div3A_44 = vector.broadcast %div3A_43 : f32 to vector<16xf32>
    %div3A_45 = arith.divf %div3A_44, %add3A_42 : vector<16xf32>
    %swap3A_46 = arith.constant 16 : index
    %swap3A_47 = tpu.vector_load %arg7[%swap3A_46] {strides = array<i32>} : memref<128xf32, #tpu.memory_space<vmem>>, vector<16xf32>,
    %swap3A_48 = vector.shape_cast %swap3A_47 : vector<16xf32> to vector<16xf32>
    %swap3A_49 = vector.shape_cast %div3A_45 : vector<16xf32> to vector<16xf32>
    tpu.vector_store %arg7[%swap3A_46], %swap3A_49 {strides = array<i32>} : memref<128xf32, #tpu.memory_space<vmem>>, vector<16xf32>,
    %neg3A_50 = arith.constant 0.000000e+00 : f32
    %neg3A_51 = vector.broadcast %neg3A_50 : f32 to vector<16xf32>
    %neg3A_52 = arith.subf %neg3A_51, %scan3A_24#2 : vector<16xf32>
    %exp3A_53 = math.exp %neg3A_52 : vector<16xf32>
    %add3A_54 = arith.constant 1.000000e+00 : f32
    %add3A_55 = vector.broadcast %add3A_54 : f32 to vector<16xf32>
    %add3A_56 = arith.addf %add3A_55, %exp3A_53 : vector<16xf32>
    %div3A_57 = arith.constant 1.000000e+00 : f32
    %div3A_58 = vector.broadcast %div3A_57 : f32 to vector<16xf32>
    %div3A_59 = arith.divf %div3A_58, %add3A_56 : vector<16xf32>
    %swap3A_60 = arith.constant 32 : index
    %swap3A_61 = tpu.vector_load %arg7[%swap3A_60] {strides = array<i32>} : memref<128xf32, #tpu.memory_space<vmem>>, vector<16xf32>,
    %swap3A_62 = vector.shape_cast %swap3A_61 : vector<16xf32> to vector<16xf32>
    %swap3A_63 = vector.shape_cast %div3A_59 : vector<16xf32> to vector<16xf32>
    tpu.vector_store %arg7[%swap3A_60], %swap3A_63 {strides = array<i32>} : memref<128xf32, #tpu.memory_space<vmem>>, vector<16xf32>,
    %neg3A_64 = arith.constant 0.000000e+00 : f32
    %neg3A_65 = vector.broadcast %neg3A_64 : f32 to vector<16xf32>
    %neg3A_66 = arith.subf %neg3A_65, %scan3A_24#3 : vector<16xf32>
    %exp3A_67 = math.exp %neg3A_66 : vector<16xf32>
    %add3A_68 = arith.constant 1.000000e+00 : f32
    %add3A_69 = vector.broadcast %add3A_68 : f32 to vector<16xf32>
    %add3A_70 = arith.addf %add3A_69, %exp3A_67 : vector<16xf32>
    %div3A_71 = arith.constant 1.000000e+00 : f32
    %div3A_72 = vector.broadcast %div3A_71 : f32 to vector<16xf32>
    %div3A_73 = arith.divf %div3A_72, %add3A_70 : vector<16xf32>
    %swap3A_74 = arith.constant 48 : index
    %swap3A_75 = tpu.vector_load %arg7[%swap3A_74] {strides = array<i32>} : memref<128xf32, #tpu.memory_space<vmem>>, vector<16xf32>,
    %swap3A_76 = vector.shape_cast %swap3A_75 : vector<16xf32> to vector<16xf32>
    %swap3A_77 = vector.shape_cast %div3A_73 : vector<16xf32> to vector<16xf32>
    tpu.vector_store %arg7[%swap3A_74], %swap3A_77 {strides = array<i32>} : memref<128xf32, #tpu.memory_space<vmem>>, vector<16xf32>,
    %neg3A_78 = arith.constant 0.000000e+00 : f32
    %neg3A_79 = vector.broadcast %neg3A_78 : f32 to vector<16xf32>
    %neg3A_80 = arith.subf %neg3A_79, %scan3A_24#4 : vector<16xf32>
    %exp3A_81 = math.exp %neg3A_80 : vector<16xf32>
    %add3A_82 = arith.constant 1.000000e+00 : f32
    %add3A_83 = vector.broadcast %add3A_82 : f32 to vector<16xf32>
    %add3A_84 = arith.addf %add3A_83, %exp3A_81 : vector<16xf32>
    %div3A_85 = arith.constant 1.000000e+00 : f32
    %div3A_86 = vector.broadcast %div3A_85 : f32 to vector<16xf32>
    %div3A_87 = arith.divf %div3A_86, %add3A_84 : vector<16xf32>
    %swap3A_88 = arith.constant 64 : index
    %swap3A_89 = tpu.vector_load %arg7[%swap3A_88] {strides = array<i32>} : memref<128xf32, #tpu.memory_space<vmem>>, vector<16xf32>,
    %swap3A_90 = vector.shape_cast %swap3A_89 : vector<16xf32> to vector<16xf32>
    %swap3A_91 = vector.shape_cast %div3A_87 : vector<16xf32> to vector<16xf32>
    tpu.vector_store %arg7[%swap3A_88], %swap3A_91 {strides = array<i32>} : memref<128xf32, #tpu.memory_space<vmem>>, vector<16xf32>,
    %neg3A_92 = arith.constant 0.000000e+00 : f32
    %neg3A_93 = vector.broadcast %neg3A_92 : f32 to vector<16xf32>
    %neg3A_94 = arith.subf %neg3A_93, %scan3A_24#5 : vector<16xf32>
    %exp3A_95 = math.exp %neg3A_94 : vector<16xf32>
    %add3A_96 = arith.constant 1.000000e+00 : f32
    %add3A_97 = vector.broadcast %add3A_96 : f32 to vector<16xf32>
    %add3A_98 = arith.addf %add3A_97, %exp3A_95 : vector<16xf32>
    %div3A_99 = arith.constant 1.000000e+00 : f32
    %div3A_100 = vector.broadcast %div3A_99 : f32 to vector<16xf32>
    %div3A_101 = arith.divf %div3A_100, %add3A_98 : vector<16xf32>
    %swap3A_102 = arith.constant 80 : index
    %swap3A_103 = tpu.vector_load %arg7[%swap3A_102] {strides = array<i32>} : memref<128xf32, #tpu.memory_space<vmem>>, vector<16xf32>,
    %swap3A_104 = vector.shape_cast %swap3A_103 : vector<16xf32> to vector<16xf32>
    %swap3A_105 = vector.shape_cast %div3A_101 : vector<16xf32> to vector<16xf32>
    tpu.vector_store %arg7[%swap3A_102], %swap3A_105 {strides = array<i32>} : memref<128xf32, #tpu.memory_space<vmem>>, vector<16xf32>,
    %neg3A_106 = arith.constant 0.000000e+00 : f32
    %neg3A_107 = vector.broadcast %neg3A_106 : f32 to vector<16xf32>
    %neg3A_108 = arith.subf %neg3A_107, %scan3A_24#6 : vector<16xf32>
    %exp3A_109 = math.exp %neg3A_108 : vector<16xf32>
    %add3A_110 = arith.constant 1.000000e+00 : f32
    %add3A_111 = vector.broadcast %add3A_110 : f32 to vector<16xf32>
    %add3A_112 = arith.addf %add3A_111, %exp3A_109 : vector<16xf32>
    %div3A_113 = arith.constant 1.000000e+00 : f32
    %div3A_114 = vector.broadcast %div3A_113 : f32 to vector<16xf32>
    %div3A_115 = arith.divf %div3A_114, %add3A_112 : vector<16xf32>
    %swap3A_116 = arith.constant 96 : index
    %swap3A_117 = tpu.vector_load %arg7[%swap3A_116] {strides = array<i32>} : memref<128xf32, #tpu.memory_space<vmem>>, vector<16xf32>,
    %swap3A_118 = vector.shape_cast %swap3A_117 : vector<16xf32> to vector<16xf32>
    %swap3A_119 = vector.shape_cast %div3A_115 : vector<16xf32> to vector<16xf32>
    tpu.vector_store %arg7[%swap3A_116], %swap3A_119 {strides = array<i32>} : memref<128xf32, #tpu.memory_space<vmem>>, vector<16xf32>,
    %neg3A_120 = arith.constant 0.000000e+00 : f32
    %neg3A_121 = vector.broadcast %neg3A_120 : f32 to vector<16xf32>
    %neg3A_122 = arith.subf %neg3A_121, %scan3A_24#7 : vector<16xf32>
    %exp3A_123 = math.exp %neg3A_122 : vector<16xf32>
    %add3A_124 = arith.constant 1.000000e+00 : f32
    %add3A_125 = vector.broadcast %add3A_124 : f32 to vector<16xf32>
    %add3A_126 = arith.addf %add3A_125, %exp3A_123 : vector<16xf32>
    %div3A_127 = arith.constant 1.000000e+00 : f32
    %div3A_128 = vector.broadcast %div3A_127 : f32 to vector<16xf32>
    %div3A_129 = arith.divf %div3A_128, %add3A_126 : vector<16xf32>
    %swap3A_130 = arith.constant 112 : index
    %swap3A_131 = tpu.vector_load %arg7[%swap3A_130] {strides = array<i32>} : memref<128xf32, #tpu.memory_space<vmem>>, vector<16xf32>,
    %swap3A_132 = vector.shape_cast %swap3A_131 : vector<16xf32> to vector<16xf32>
    %swap3A_133 = vector.shape_cast %div3A_129 : vector<16xf32> to vector<16xf32>
    tpu.vector_store %arg7[%swap3A_130], %swap3A_133 {strides = array<i32>} : memref<128xf32, #tpu.memory_space<vmem>>, vector<16xf32>,
    %mul3A_134 = arith.constant 128 : i32
    %mul3A_135 = arith.muli %add3A, %mul3A_134 : i32
    "tpu.region"() ({
      %run_scoped3A = tpu.sem_alloc : memref<!tpu.dma_semaphore, #tpu.memory_space<semaphore_mem>>
      %dma_start3A = tpu.memref_slice %arg4[%mul3A_135] : memref<4096xf32, #tpu.memory_space<hbm>> -> memref<128xf32, #tpu.memory_space<hbm>>
      %dma_start3A_136 = tpu.memref_slice %arg4[%mul3A_135] : memref<4096xf32, #tpu.memory_space<hbm>> -> memref<128xf32, #tpu.memory_space<hbm>>
      tpu.enqueue_dma source(%arg7 : memref<128xf32, #tpu.memory_space<vmem>>) target(%dma_start3A_136 : memref<128xf32, #tpu.memory_space<hbm>>) target_semaphore(%run_scoped3A : memref<!tpu.dma_semaphore, #tpu.memory_space<semaphore_mem>>)
      %dma_wait3A = tpu.memref_slice %arg4[%mul3A_135] : memref<4096xf32, #tpu.memory_space<hbm>> -> memref<128xf32, #tpu.memory_space<hbm>>
      %dma_wait3A_137 = tpu.memref_slice %arg4[%mul3A_135] : memref<4096xf32, #tpu.memory_space<hbm>> -> memref<128xf32, #tpu.memory_space<hbm>>
      tpu.wait_dma2 semaphore(%run_scoped3A : memref<!tpu.dma_semaphore, #tpu.memory_space<semaphore_mem>>) src(%arg7 : memref<128xf32, #tpu.memory_space<vmem>>) dst(%dma_wait3A_137 : memref<128xf32, #tpu.memory_space<hbm>>)
      tpu.yield
    }) : () -> ()
    return
  }
}

module attributes {stable_mosaic.version = 14 : i64} {
  func.func @_fold_body(%arg0: memref<1000000x64xf32, #tpu.memory_space<any>>, %arg1: memref<1x64xf32, #tpu.memory_space<vmem>>, %arg2: memref<1x1xf32, #tpu.memory_space<vmem>>, %arg3: memref<100x10000xf32, #tpu.memory_space<any>>, %arg4: memref<10000x64xf32, #tpu.memory_space<vmem>>, %arg5: memref<10000x64xf32, #tpu.memory_space<vmem>>, %arg6: memref<10000x64xf32, #tpu.memory_space<vmem>>, %arg7: memref<10000x64xf32, #tpu.memory_space<vmem>>, %arg8: memref<100x10000xf32, #tpu.memory_space<vmem>>, %arg9: memref<4x!tpu.dma_semaphore, #tpu.memory_space<semaphore_mem>>, %arg10: memref<!tpu.dma_semaphore, #tpu.memory_space<semaphore_mem>>) attributes {dimension_semantics = [], scalar_prefetch = 0 : i64, scratch_operands = 7 : i64, tpu.core_type = #tpu.core_type<tc>} {
    %get3A = arith.constant 0 : index
    %get3A_0 = arith.constant 0 : index
    %get3A_1 = vector.load %arg1[%get3A, %get3A_0] : memref<1x64xf32, #tpu.memory_space<vmem>>, vector<1x64xf32>
    %get3A_2 = arith.constant 0 : index
    %get3A_3 = arith.constant 0 : index
    %get3A_4 = vector.load %arg2[%get3A_2, %get3A_3] : memref<1x1xf32, #tpu.memory_space<vmem>>, vector<1x1xf32>
    %get3A_5 = vector.extract %get3A_4[0, 0] : f32 from vector<1x1xf32>
    %dma_start3A = arith.constant 0 : i32
    %dma_start3A_6 = tpu.memref_slice %arg9[%dma_start3A] : memref<4x!tpu.dma_semaphore, #tpu.memory_space<semaphore_mem>> -> memref<1x!tpu.dma_semaphore, #tpu.memory_space<semaphore_mem>>
    %dma_start3A_7 = tpu.memref_squeeze %dma_start3A_6 : memref<1x!tpu.dma_semaphore, #tpu.memory_space<semaphore_mem>> -> memref<!tpu.dma_semaphore, #tpu.memory_space<semaphore_mem>>
    %dma_start3A_8 = arith.constant 0 : i32
    %dma_start3A_9 = arith.constant 0 : i32
    %dma_start3A_10 = tpu.memref_slice %arg0[%dma_start3A_8, %dma_start3A_9] : memref<1000000x64xf32, #tpu.memory_space<any>> -> memref<10000x64xf32, #tpu.memory_space<any>>
    tpu.enqueue_dma source(%dma_start3A_10 : memref<10000x64xf32, #tpu.memory_space<any>>) target(%arg4 : memref<10000x64xf32, #tpu.memory_space<vmem>>) target_semaphore(%dma_start3A_7 : memref<!tpu.dma_semaphore, #tpu.memory_space<semaphore_mem>>)
    %dma_start3A_11 = arith.constant 1 : i32
    %dma_start3A_12 = tpu.memref_slice %arg9[%dma_start3A_11] : memref<4x!tpu.dma_semaphore, #tpu.memory_space<semaphore_mem>> -> memref<1x!tpu.dma_semaphore, #tpu.memory_space<semaphore_mem>>
    %dma_start3A_13 = tpu.memref_squeeze %dma_start3A_12 : memref<1x!tpu.dma_semaphore, #tpu.memory_space<semaphore_mem>> -> memref<!tpu.dma_semaphore, #tpu.memory_space<semaphore_mem>>
    %dma_start3A_14 = arith.constant 10000 : i32
    %dma_start3A_15 = arith.constant 0 : i32
    %dma_start3A_16 = tpu.memref_slice %arg0[%dma_start3A_14, %dma_start3A_15] : memref<1000000x64xf32, #tpu.memory_space<any>> -> memref<10000x64xf32, #tpu.memory_space<any>>
    tpu.enqueue_dma source(%dma_start3A_16 : memref<10000x64xf32, #tpu.memory_space<any>>) target(%arg5 : memref<10000x64xf32, #tpu.memory_space<vmem>>) target_semaphore(%dma_start3A_13 : memref<!tpu.dma_semaphore, #tpu.memory_space<semaphore_mem>>)
    %dma_start3A_17 = arith.constant 2 : i32
    %dma_start3A_18 = tpu.memref_slice %arg9[%dma_start3A_17] : memref<4x!tpu.dma_semaphore, #tpu.memory_space<semaphore_mem>> -> memref<1x!tpu.dma_semaphore, #tpu.memory_space<semaphore_mem>>
    %dma_start3A_19 = tpu.memref_squeeze %dma_start3A_18 : memref<1x!tpu.dma_semaphore, #tpu.memory_space<semaphore_mem>> -> memref<!tpu.dma_semaphore, #tpu.memory_space<semaphore_mem>>
    %dma_start3A_20 = arith.constant 20000 : i32
    %dma_start3A_21 = arith.constant 0 : i32
    %dma_start3A_22 = tpu.memref_slice %arg0[%dma_start3A_20, %dma_start3A_21] : memref<1000000x64xf32, #tpu.memory_space<any>> -> memref<10000x64xf32, #tpu.memory_space<any>>
    tpu.enqueue_dma source(%dma_start3A_22 : memref<10000x64xf32, #tpu.memory_space<any>>) target(%arg6 : memref<10000x64xf32, #tpu.memory_space<vmem>>) target_semaphore(%dma_start3A_19 : memref<!tpu.dma_semaphore, #tpu.memory_space<semaphore_mem>>)
    %dma_start3A_23 = arith.constant 3 : i32
    %dma_start3A_24 = tpu.memref_slice %arg9[%dma_start3A_23] : memref<4x!tpu.dma_semaphore, #tpu.memory_space<semaphore_mem>> -> memref<1x!tpu.dma_semaphore, #tpu.memory_space<semaphore_mem>>
    %dma_start3A_25 = tpu.memref_squeeze %dma_start3A_24 : memref<1x!tpu.dma_semaphore, #tpu.memory_space<semaphore_mem>> -> memref<!tpu.dma_semaphore, #tpu.memory_space<semaphore_mem>>
    %dma_start3A_26 = arith.constant 30000 : i32
    %dma_start3A_27 = arith.constant 0 : i32
    %dma_start3A_28 = tpu.memref_slice %arg0[%dma_start3A_26, %dma_start3A_27] : memref<1000000x64xf32, #tpu.memory_space<any>> -> memref<10000x64xf32, #tpu.memory_space<any>>
    tpu.enqueue_dma source(%dma_start3A_28 : memref<10000x64xf32, #tpu.memory_space<any>>) target(%arg7 : memref<10000x64xf32, #tpu.memory_space<vmem>>) target_semaphore(%dma_start3A_25 : memref<!tpu.dma_semaphore, #tpu.memory_space<semaphore_mem>>)
    %scan3A = arith.constant 0 : i32
    %scan3A_29 = arith.constant 25 : i32
    %scan3A_30 = arith.addi %scan3A, %scan3A_29 : i32
    %scan3A_31 = arith.constant 1 : i32
    scf.for %scan3A_33 = %scan3A to %scan3A_30 step %scan3A_31  : i32 {
      %mul3A = arith.constant 4 : i32
      %mul3A_34 = arith.muli %scan3A_33, %mul3A : i32
      %add3A = arith.constant 0 : i32
      %add3A_35 = arith.addi %mul3A_34, %add3A : i32
      %mul3A_36 = arith.constant 10000 : i32
      %mul3A_37 = arith.muli %add3A_35, %mul3A_36 : i32
      %dma_wait3A = arith.constant 0 : i32
      %dma_wait3A_38 = tpu.memref_slice %arg9[%dma_wait3A] : memref<4x!tpu.dma_semaphore, #tpu.memory_space<semaphore_mem>> -> memref<1x!tpu.dma_semaphore, #tpu.memory_space<semaphore_mem>>
      %dma_wait3A_39 = tpu.memref_squeeze %dma_wait3A_38 : memref<1x!tpu.dma_semaphore, #tpu.memory_space<semaphore_mem>> -> memref<!tpu.dma_semaphore, #tpu.memory_space<semaphore_mem>>
      %dma_wait3A_40 = arith.constant 0 : i32
      %dma_wait3A_41 = tpu.memref_slice %arg0[%mul3A_37, %dma_wait3A_40] : memref<1000000x64xf32, #tpu.memory_space<any>> -> memref<10000x64xf32, #tpu.memory_space<any>>
      tpu.wait_dma2 semaphore(%dma_wait3A_39 : memref<!tpu.dma_semaphore, #tpu.memory_space<semaphore_mem>>) src(%dma_wait3A_41 : memref<10000x64xf32, #tpu.memory_space<any>>) dst(%arg4 : memref<10000x64xf32, #tpu.memory_space<vmem>>)
      %get3A_42 = arith.constant 0 : index
      %get3A_43 = arith.constant 0 : index
      %get3A_44 = vector.load %arg4[%get3A_42, %get3A_43] : memref<10000x64xf32, #tpu.memory_space<vmem>>, vector<10000x64xf32>
      %dot_general3A = arith.constant dense<0.000000e+00> : vector<1x10000xf32>
      %dot_general3A_45 = tpu.matmul %get3A_1, %get3A_44, %dot_general3A {dimension_numbers = #tpu.dot_dimension_numbers<[1], [1], [0], [0], [0, 0, 1, 0], [], []>, transpose_lhs_hint = false} : vector<1x64xf32>, vector<10000x64xf32>, vector<1x10000xf32> -> vector<1x10000xf32>
      %add3A_46 = vector.broadcast %get3A_5 : f32 to vector<1x10000xf32>
      %add3A_47 = arith.addf %dot_general3A_45, %add3A_46 : vector<1x10000xf32>
      %swap3A = arith.index_cast %add3A_35 : i32 to index
      %swap3A_48 = arith.constant 0 : index
      %swap3A_49 = vector.load %arg8[%swap3A, %swap3A_48] : memref<100x10000xf32, #tpu.memory_space<vmem>>, vector<1x10000xf32>
      tpu.vector_store %arg8[%swap3A, %swap3A_48], %add3A_47 {strides = array<i32>} : memref<100x10000xf32, #tpu.memory_space<vmem>>, vector<1x10000xf32>,
      %add3A_50 = arith.constant 4 : i32
      %add3A_51 = arith.addi %add3A_35, %add3A_50 : i32
      %lt3A = arith.constant 100 : i32
      %lt3A_52 = arith.cmpi slt, %add3A_51, %lt3A : i32
      %convert_element_type3A = arith.extui %lt3A_52 : i1 to i32
      %cond3A = arith.constant 0 : i32
      %cond3A_53 = arith.cmpi ne, %convert_element_type3A, %cond3A : i32
      scf.if %cond3A_53 {
        %add3A_138 = arith.constant 4 : i32
        %add3A_139 = arith.addi %add3A_35, %add3A_138 : i32
        %mul3A_140 = arith.constant 10000 : i32
        %mul3A_141 = arith.muli %add3A_139, %mul3A_140 : i32
        %dma_start3A_142 = arith.constant 0 : i32
        %dma_start3A_143 = tpu.memref_slice %arg9[%dma_start3A_142] : memref<4x!tpu.dma_semaphore, #tpu.memory_space<semaphore_mem>> -> memref<1x!tpu.dma_semaphore, #tpu.memory_space<semaphore_mem>>
        %dma_start3A_144 = tpu.memref_squeeze %dma_start3A_143 : memref<1x!tpu.dma_semaphore, #tpu.memory_space<semaphore_mem>> -> memref<!tpu.dma_semaphore, #tpu.memory_space<semaphore_mem>>
        %dma_start3A_145 = arith.constant 0 : i32
        %dma_start3A_146 = tpu.memref_slice %arg0[%mul3A_141, %dma_start3A_145] : memref<1000000x64xf32, #tpu.memory_space<any>> -> memref<10000x64xf32, #tpu.memory_space<any>>
        tpu.enqueue_dma source(%dma_start3A_146 : memref<10000x64xf32, #tpu.memory_space<any>>) target(%arg4 : memref<10000x64xf32, #tpu.memory_space<vmem>>) target_semaphore(%dma_start3A_144 : memref<!tpu.dma_semaphore, #tpu.memory_space<semaphore_mem>>)
      } else {
      }
      %mul3A_54 = arith.constant 4 : i32
      %mul3A_55 = arith.muli %scan3A_33, %mul3A_54 : i32
      %add3A_56 = arith.constant 1 : i32
      %add3A_57 = arith.addi %mul3A_55, %add3A_56 : i32
      %mul3A_58 = arith.constant 10000 : i32
      %mul3A_59 = arith.muli %add3A_57, %mul3A_58 : i32
      %dma_wait3A_60 = arith.constant 1 : i32
      %dma_wait3A_61 = tpu.memref_slice %arg9[%dma_wait3A_60] : memref<4x!tpu.dma_semaphore, #tpu.memory_space<semaphore_mem>> -> memref<1x!tpu.dma_semaphore, #tpu.memory_space<semaphore_mem>>
      %dma_wait3A_62 = tpu.memref_squeeze %dma_wait3A_61 : memref<1x!tpu.dma_semaphore, #tpu.memory_space<semaphore_mem>> -> memref<!tpu.dma_semaphore, #tpu.memory_space<semaphore_mem>>
      %dma_wait3A_63 = arith.constant 0 : i32
      %dma_wait3A_64 = tpu.memref_slice %arg0[%mul3A_59, %dma_wait3A_63] : memref<1000000x64xf32, #tpu.memory_space<any>> -> memref<10000x64xf32, #tpu.memory_space<any>>
      tpu.wait_dma2 semaphore(%dma_wait3A_62 : memref<!tpu.dma_semaphore, #tpu.memory_space<semaphore_mem>>) src(%dma_wait3A_64 : memref<10000x64xf32, #tpu.memory_space<any>>) dst(%arg5 : memref<10000x64xf32, #tpu.memory_space<vmem>>)
      %get3A_65 = arith.constant 0 : index
      %get3A_66 = arith.constant 0 : index
      %get3A_67 = vector.load %arg5[%get3A_65, %get3A_66] : memref<10000x64xf32, #tpu.memory_space<vmem>>, vector<10000x64xf32>
      %dot_general3A_68 = arith.constant dense<0.000000e+00> : vector<1x10000xf32>
      %dot_general3A_69 = tpu.matmul %get3A_1, %get3A_67, %dot_general3A_68 {dimension_numbers = #tpu.dot_dimension_numbers<[1], [1], [0], [0], [0, 0, 1, 0], [], []>, transpose_lhs_hint = false} : vector<1x64xf32>, vector<10000x64xf32>, vector<1x10000xf32> -> vector<1x10000xf32>
      %add3A_70 = vector.broadcast %get3A_5 : f32 to vector<1x10000xf32>
      %add3A_71 = arith.addf %dot_general3A_69, %add3A_70 : vector<1x10000xf32>
      %swap3A_72 = arith.index_cast %add3A_57 : i32 to index
      %swap3A_73 = arith.constant 0 : index
      %swap3A_74 = vector.load %arg8[%swap3A_72, %swap3A_73] : memref<100x10000xf32, #tpu.memory_space<vmem>>, vector<1x10000xf32>
      tpu.vector_store %arg8[%swap3A_72, %swap3A_73], %add3A_71 {strides = array<i32>} : memref<100x10000xf32, #tpu.memory_space<vmem>>, vector<1x10000xf32>,
      %add3A_75 = arith.constant 4 : i32
      %add3A_76 = arith.addi %add3A_57, %add3A_75 : i32
      %lt3A_77 = arith.constant 100 : i32
      %lt3A_78 = arith.cmpi slt, %add3A_76, %lt3A_77 : i32
      %convert_element_type3A_79 = arith.extui %lt3A_78 : i1 to i32
      %cond3A_80 = arith.constant 0 : i32
      %cond3A_81 = arith.cmpi ne, %convert_element_type3A_79, %cond3A_80 : i32
      scf.if %cond3A_81 {
        %add3A_138 = arith.constant 4 : i32
        %add3A_139 = arith.addi %add3A_57, %add3A_138 : i32
        %mul3A_140 = arith.constant 10000 : i32
        %mul3A_141 = arith.muli %add3A_139, %mul3A_140 : i32
        %dma_start3A_142 = arith.constant 1 : i32
        %dma_start3A_143 = tpu.memref_slice %arg9[%dma_start3A_142] : memref<4x!tpu.dma_semaphore, #tpu.memory_space<semaphore_mem>> -> memref<1x!tpu.dma_semaphore, #tpu.memory_space<semaphore_mem>>
        %dma_start3A_144 = tpu.memref_squeeze %dma_start3A_143 : memref<1x!tpu.dma_semaphore, #tpu.memory_space<semaphore_mem>> -> memref<!tpu.dma_semaphore, #tpu.memory_space<semaphore_mem>>
        %dma_start3A_145 = arith.constant 0 : i32
        %dma_start3A_146 = tpu.memref_slice %arg0[%mul3A_141, %dma_start3A_145] : memref<1000000x64xf32, #tpu.memory_space<any>> -> memref<10000x64xf32, #tpu.memory_space<any>>
        tpu.enqueue_dma source(%dma_start3A_146 : memref<10000x64xf32, #tpu.memory_space<any>>) target(%arg5 : memref<10000x64xf32, #tpu.memory_space<vmem>>) target_semaphore(%dma_start3A_144 : memref<!tpu.dma_semaphore, #tpu.memory_space<semaphore_mem>>)
      } else {
      }
      %mul3A_82 = arith.constant 4 : i32
      %mul3A_83 = arith.muli %scan3A_33, %mul3A_82 : i32
      %add3A_84 = arith.constant 2 : i32
      %add3A_85 = arith.addi %mul3A_83, %add3A_84 : i32
      %mul3A_86 = arith.constant 10000 : i32
      %mul3A_87 = arith.muli %add3A_85, %mul3A_86 : i32
      %dma_wait3A_88 = arith.constant 2 : i32
      %dma_wait3A_89 = tpu.memref_slice %arg9[%dma_wait3A_88] : memref<4x!tpu.dma_semaphore, #tpu.memory_space<semaphore_mem>> -> memref<1x!tpu.dma_semaphore, #tpu.memory_space<semaphore_mem>>
      %dma_wait3A_90 = tpu.memref_squeeze %dma_wait3A_89 : memref<1x!tpu.dma_semaphore, #tpu.memory_space<semaphore_mem>> -> memref<!tpu.dma_semaphore, #tpu.memory_space<semaphore_mem>>
      %dma_wait3A_91 = arith.constant 0 : i32
      %dma_wait3A_92 = tpu.memref_slice %arg0[%mul3A_87, %dma_wait3A_91] : memref<1000000x64xf32, #tpu.memory_space<any>> -> memref<10000x64xf32, #tpu.memory_space<any>>
      tpu.wait_dma2 semaphore(%dma_wait3A_90 : memref<!tpu.dma_semaphore, #tpu.memory_space<semaphore_mem>>) src(%dma_wait3A_92 : memref<10000x64xf32, #tpu.memory_space<any>>) dst(%arg6 : memref<10000x64xf32, #tpu.memory_space<vmem>>)
      %get3A_93 = arith.constant 0 : index
      %get3A_94 = arith.constant 0 : index
      %get3A_95 = vector.load %arg6[%get3A_93, %get3A_94] : memref<10000x64xf32, #tpu.memory_space<vmem>>, vector<10000x64xf32>
      %dot_general3A_96 = arith.constant dense<0.000000e+00> : vector<1x10000xf32>
      %dot_general3A_97 = tpu.matmul %get3A_1, %get3A_95, %dot_general3A_96 {dimension_numbers = #tpu.dot_dimension_numbers<[1], [1], [0], [0], [0, 0, 1, 0], [], []>, transpose_lhs_hint = false} : vector<1x64xf32>, vector<10000x64xf32>, vector<1x10000xf32> -> vector<1x10000xf32>
      %add3A_98 = vector.broadcast %get3A_5 : f32 to vector<1x10000xf32>
      %add3A_99 = arith.addf %dot_general3A_97, %add3A_98 : vector<1x10000xf32>
      %swap3A_100 = arith.index_cast %add3A_85 : i32 to index
      %swap3A_101 = arith.constant 0 : index
      %swap3A_102 = vector.load %arg8[%swap3A_100, %swap3A_101] : memref<100x10000xf32, #tpu.memory_space<vmem>>, vector<1x10000xf32>
      tpu.vector_store %arg8[%swap3A_100, %swap3A_101], %add3A_99 {strides = array<i32>} : memref<100x10000xf32, #tpu.memory_space<vmem>>, vector<1x10000xf32>,
      %add3A_103 = arith.constant 4 : i32
      %add3A_104 = arith.addi %add3A_85, %add3A_103 : i32
      %lt3A_105 = arith.constant 100 : i32
      %lt3A_106 = arith.cmpi slt, %add3A_104, %lt3A_105 : i32
      %convert_element_type3A_107 = arith.extui %lt3A_106 : i1 to i32
      %cond3A_108 = arith.constant 0 : i32
      %cond3A_109 = arith.cmpi ne, %convert_element_type3A_107, %cond3A_108 : i32
      scf.if %cond3A_109 {
        %add3A_138 = arith.constant 4 : i32
        %add3A_139 = arith.addi %add3A_85, %add3A_138 : i32
        %mul3A_140 = arith.constant 10000 : i32
        %mul3A_141 = arith.muli %add3A_139, %mul3A_140 : i32
        %dma_start3A_142 = arith.constant 2 : i32
        %dma_start3A_143 = tpu.memref_slice %arg9[%dma_start3A_142] : memref<4x!tpu.dma_semaphore, #tpu.memory_space<semaphore_mem>> -> memref<1x!tpu.dma_semaphore, #tpu.memory_space<semaphore_mem>>
        %dma_start3A_144 = tpu.memref_squeeze %dma_start3A_143 : memref<1x!tpu.dma_semaphore, #tpu.memory_space<semaphore_mem>> -> memref<!tpu.dma_semaphore, #tpu.memory_space<semaphore_mem>>
        %dma_start3A_145 = arith.constant 0 : i32
        %dma_start3A_146 = tpu.memref_slice %arg0[%mul3A_141, %dma_start3A_145] : memref<1000000x64xf32, #tpu.memory_space<any>> -> memref<10000x64xf32, #tpu.memory_space<any>>
        tpu.enqueue_dma source(%dma_start3A_146 : memref<10000x64xf32, #tpu.memory_space<any>>) target(%arg6 : memref<10000x64xf32, #tpu.memory_space<vmem>>) target_semaphore(%dma_start3A_144 : memref<!tpu.dma_semaphore, #tpu.memory_space<semaphore_mem>>)
      } else {
      }
      %mul3A_110 = arith.constant 4 : i32
      %mul3A_111 = arith.muli %scan3A_33, %mul3A_110 : i32
      %add3A_112 = arith.constant 3 : i32
      %add3A_113 = arith.addi %mul3A_111, %add3A_112 : i32
      %mul3A_114 = arith.constant 10000 : i32
      %mul3A_115 = arith.muli %add3A_113, %mul3A_114 : i32
      %dma_wait3A_116 = arith.constant 3 : i32
      %dma_wait3A_117 = tpu.memref_slice %arg9[%dma_wait3A_116] : memref<4x!tpu.dma_semaphore, #tpu.memory_space<semaphore_mem>> -> memref<1x!tpu.dma_semaphore, #tpu.memory_space<semaphore_mem>>
      %dma_wait3A_118 = tpu.memref_squeeze %dma_wait3A_117 : memref<1x!tpu.dma_semaphore, #tpu.memory_space<semaphore_mem>> -> memref<!tpu.dma_semaphore, #tpu.memory_space<semaphore_mem>>
      %dma_wait3A_119 = arith.constant 0 : i32
      %dma_wait3A_120 = tpu.memref_slice %arg0[%mul3A_115, %dma_wait3A_119] : memref<1000000x64xf32, #tpu.memory_space<any>> -> memref<10000x64xf32, #tpu.memory_space<any>>
      tpu.wait_dma2 semaphore(%dma_wait3A_118 : memref<!tpu.dma_semaphore, #tpu.memory_space<semaphore_mem>>) src(%dma_wait3A_120 : memref<10000x64xf32, #tpu.memory_space<any>>) dst(%arg7 : memref<10000x64xf32, #tpu.memory_space<vmem>>)
      %get3A_121 = arith.constant 0 : index
      %get3A_122 = arith.constant 0 : index
      %get3A_123 = vector.load %arg7[%get3A_121, %get3A_122] : memref<10000x64xf32, #tpu.memory_space<vmem>>, vector<10000x64xf32>
      %dot_general3A_124 = arith.constant dense<0.000000e+00> : vector<1x10000xf32>
      %dot_general3A_125 = tpu.matmul %get3A_1, %get3A_123, %dot_general3A_124 {dimension_numbers = #tpu.dot_dimension_numbers<[1], [1], [0], [0], [0, 0, 1, 0], [], []>, transpose_lhs_hint = false} : vector<1x64xf32>, vector<10000x64xf32>, vector<1x10000xf32> -> vector<1x10000xf32>
      %add3A_126 = vector.broadcast %get3A_5 : f32 to vector<1x10000xf32>
      %add3A_127 = arith.addf %dot_general3A_125, %add3A_126 : vector<1x10000xf32>
      %swap3A_128 = arith.index_cast %add3A_113 : i32 to index
      %swap3A_129 = arith.constant 0 : index
      %swap3A_130 = vector.load %arg8[%swap3A_128, %swap3A_129] : memref<100x10000xf32, #tpu.memory_space<vmem>>, vector<1x10000xf32>
      tpu.vector_store %arg8[%swap3A_128, %swap3A_129], %add3A_127 {strides = array<i32>} : memref<100x10000xf32, #tpu.memory_space<vmem>>, vector<1x10000xf32>,
      %add3A_131 = arith.constant 4 : i32
      %add3A_132 = arith.addi %add3A_113, %add3A_131 : i32
      %lt3A_133 = arith.constant 100 : i32
      %lt3A_134 = arith.cmpi slt, %add3A_132, %lt3A_133 : i32
      %convert_element_type3A_135 = arith.extui %lt3A_134 : i1 to i32
      %cond3A_136 = arith.constant 0 : i32
      %cond3A_137 = arith.cmpi ne, %convert_element_type3A_135, %cond3A_136 : i32
      scf.if %cond3A_137 {
        %add3A_138 = arith.constant 4 : i32
        %add3A_139 = arith.addi %add3A_113, %add3A_138 : i32
        %mul3A_140 = arith.constant 10000 : i32
        %mul3A_141 = arith.muli %add3A_139, %mul3A_140 : i32
        %dma_start3A_142 = arith.constant 3 : i32
        %dma_start3A_143 = tpu.memref_slice %arg9[%dma_start3A_142] : memref<4x!tpu.dma_semaphore, #tpu.memory_space<semaphore_mem>> -> memref<1x!tpu.dma_semaphore, #tpu.memory_space<semaphore_mem>>
        %dma_start3A_144 = tpu.memref_squeeze %dma_start3A_143 : memref<1x!tpu.dma_semaphore, #tpu.memory_space<semaphore_mem>> -> memref<!tpu.dma_semaphore, #tpu.memory_space<semaphore_mem>>
        %dma_start3A_145 = arith.constant 0 : i32
        %dma_start3A_146 = tpu.memref_slice %arg0[%mul3A_141, %dma_start3A_145] : memref<1000000x64xf32, #tpu.memory_space<any>> -> memref<10000x64xf32, #tpu.memory_space<any>>
        tpu.enqueue_dma source(%dma_start3A_146 : memref<10000x64xf32, #tpu.memory_space<any>>) target(%arg7 : memref<10000x64xf32, #tpu.memory_space<vmem>>) target_semaphore(%dma_start3A_144 : memref<!tpu.dma_semaphore, #tpu.memory_space<semaphore_mem>>)
      } else {
      }
    }
    %scan3A_32 = arith.constant 25 : i32
    tpu.enqueue_dma source(%arg8 : memref<100x10000xf32, #tpu.memory_space<vmem>>) target(%arg3 : memref<100x10000xf32, #tpu.memory_space<any>>) target_semaphore(%arg10 : memref<!tpu.dma_semaphore, #tpu.memory_space<semaphore_mem>>)
    tpu.wait_dma2 semaphore(%arg10 : memref<!tpu.dma_semaphore, #tpu.memory_space<semaphore_mem>>) src(%arg8 : memref<100x10000xf32, #tpu.memory_space<vmem>>) dst(%arg3 : memref<100x10000xf32, #tpu.memory_space<any>>)
    return
  }
}

</mosaic_0001>

<sc_bundles>
// kernel: kernel.4.cloned.1.call-start
scs
__scs_entry_jumppad:
0x0: {  	(pc) =	sbr.rel $0x88, $3  }
0x1: {  	(tag) =	ssettag $0x0;
	lr =	simm.s32 $0x1  }
0x2: {  	[smem:$0x3F9D] =	sst lr;
	_ =	strace $0xD0000000  }
0x3: {  	_ = 	snop  }
0x4: {  	_ = 	snop  }
0x5: {  	_ = 	snop  }
0x6: {  	_ = 	snop  }
0x7: {  	_ = 	snop  }
__scs_overlays_trampoline_lowered:
0x8: {  	[smem:$0x3FAC] =	sst s0  }
0x9: {  	[smem:$0x3FAD] =	sst s1  }
0xa: {  	[smem:$0x3FAE] =	sst s2  }
0xb: {  	[smem:$0x3FAF] =	sst s3  }
0xc: {  	[smem:$0x3FB0] =	sst s4  }
0xd: {  	[smem:$0x3FB1] =	sst s5  }
0xe: {  	[smem:$0x3FB2] =	sst s6  }
0xf: {  	[smem:$0x3FB3] =	sst s7  }
0x10: {  	[smem:$0x3FB4] =	sst s8  }
0x11: {  	[smem:$0x3FB5] =	sst s9;
	s0 =	simm.s32 @!p0 $0x0  }
0x12: {  	s1 =	sld [smem:$0x3F9B];
	s0 =	simm.s32 @p0 $0x1  }
0x13: {  	[smem:$0x3FB6] =	sst s0;
	s0 =	simm.s32 @!p1 $0x0  }
0x14: {  	s2 =	sld [smem:$0x3F9A];
	s0 =	simm.s32 @p1 $0x1  }
0x15: {  	[smem:$0x3FB7] =	sst s0;
	s0 =	simm.s32 @!p2 $0x0  }
0x16: {  	s3 =	sld [smem:$0x3FDB];
	s0 =	simm.s32 @p2 $0x1  }
0x17: {  	s4 =	simm.s32 $0x1BF5;
	[smem:$0x3FB9] =	sst s0  }
0x18: {  	s0 =	sld [smem:$0x3F9C];
	_ =	swait.ge [sflag:s4], $0x0  }
0x19: {  	s7 =	sld [smem:$0x3F9D]  }
0x1a: {  	s8 =	sadd.s32 $0xFFFFE003, lr  }
0x1b: {  	s9 =	sadd.s32 $0xFFFFFEF7, lr;
	s5 =	simm.s32 $0xFFFFFFFF;
	p2 =	slt.u32 s8, $0xFFFFF086  }
0x1c: {  	p1 =	slt.u32 s9, $0xF7A;
	s5 =	simm.s32 @!p2 $0x0  }
0x1d: {  	s5 =	simm.s32 @p1 $0x1;
	p0 =	seq.s32 s7, s2  }
0x1e: {  	s7 =	smul.u32 @!p0 $0xF7A, s2;
	p2 =	seq.s32 @!p0 s5, $0x0  }
0x1f: {  	s9 =	smul.u32 $0xF7A, s1;
	s8 =	simm.s32 @!p0 $0x1BF5;
	p2 =	por !p2, p0  }
0x20: {  	[sflag:s8] =	ssyncset.s32 @!p0 $0xFFFFF086;
	s6 =	sadd.s32 @!p0 s3, s7;
	s7 =	simm.s32 @!p0 $0x108  }
0x21: {  	s3 =	sadd.s32 s3, s9;
	s6 =	sadd.s32 @!p0 $0x88, s6;
	s7 =	simm.s32 @p2 $0x1082  }
0x22: {  	[simem:s7], [sflag:s8] =	dma.local @!p0 [hbm:s6], $0xF7A  }
0x23: {  	s9 =	sor.u32 $0xD0000000, s2;
	s6 =	simm.s32 $0x108;
	_ =	swait.ge @!p0 [sflag:s8], $0x0  }
0x24: {  	s3 =	sadd.s32 $0x88, s3;
	s6 =	simm.s32 @!p1 $0x1082;
	[sflag:s4] =	ssyncset.s32 $0xFFFFF086  }
0x25: {  	[simem:s6], [sflag:s4] =	dma.local [hbm:s3], $0xF7A  }
0x26: {  	[smem:$0x3F9D] =	sst s1;
	(tag) =	ssettag s2;
	_ =	strace s9  }
0x27: {  	s1 =	sld [smem:$0x3FAD]  }
0x28: {  	s2 =	sld [smem:$0x3FAE]  }
0x29: {  	s4 =	sld [smem:$0x3FB0]  }
0x2a: {  	p0 =	seq.s32 s5, $0x0;
	s5 =	sld [smem:$0x3FB1]  }
0x2b: {  	s6 =	sld [smem:$0x3FB2]  }
0x2c: {  	s7 =	sld [smem:$0x3FB3]  }
0x2d: {  	s3 =	simm.s32 $0x108;
	s8 =	sld [smem:$0x3FB4]  }
0x2e: {  	s3 =	simm.s32 @!p0 $0x1082;
	s9 =	sld [smem:$0x3FB5]  }
0x2f: {  	lr =	sadd.s32 s0, s3;
	s0 =	sld [smem:$0x3FAC]  }
0x30: {  	s3 =	sld [smem:$0x3FAF]  }
0x31: {  	[smem:$0x3FB8] =	sst s10  }
0x32: {  	s10 =	sld [smem:$0x3FB6];
	_ =	sdelay $0x3  }
0x33: {  	p0 =	seq.s32 s10, $0x1;
	s10 =	sld [smem:$0x3FB8];
	_ =	sdelay $0x3  }
0x34: {  	[smem:$0x3FB8] =	sst s10  }
0x35: {  	s10 =	sld [smem:$0x3FB7];
	_ =	sdelay $0x3  }
0x36: {  	p1 =	seq.s32 s10, $0x1;
	s10 =	sld [smem:$0x3FB8];
	_ =	sdelay $0x3  }
0x37: {  	[smem:$0x3FB8] =	sst s10  }
0x38: {  	s10 =	sld [smem:$0x3FB9]  }
0x39: {  	_ = 	snop;
	(pc) =	sbr.ind lr, $3  }
0x3a: {  	_ = 	snop  }
0x3b: {  	_ = 	snop  }
0x3c: {  	p2 =	seq.s32 s10, $0x1;
	s10 =	sld [smem:$0x3FB8]  }
0x3d: {  	_ =	shalt  }
0x3e: {  	_ =	shalt  }
0x3f: {  	_ =	shalt  }
0x40: {  	_ =	shalt  }
0x41: {  	_ =	shalt  }
0x42: {  	_ =	shalt  }
0x43: {  	_ =	shalt  }
0x44: {  	_ =	shalt  }
0x45: {  	_ =	shalt  }
0x46: {  	_ =	shalt  }
0x47: {  	_ =	shalt  }
0x48: {  	_ =	shalt  }
0x49: {  	_ =	shalt  }
0x4a: {  	_ =	shalt  }
0x4b: {  	_ =	shalt  }
0x4c: {  	_ =	shalt  }
0x4d: {  	_ =	shalt  }
0x4e: {  	_ =	shalt  }
0x4f: {  	_ =	shalt  }
0x50: {  	_ =	shalt  }
0x51: {  	_ =	shalt  }
0x52: {  	_ =	shalt  }
0x53: {  	_ =	shalt  }
0x54: {  	_ =	shalt  }
0x55: {  	_ =	shalt  }
0x56: {  	_ =	shalt  }
0x57: {  	_ =	shalt  }
0x58: {  	_ =	shalt  }
0x59: {  	_ =	shalt  }
0x5a: {  	_ =	shalt  }
0x5b: {  	_ =	shalt  }
0x5c: {  	_ =	shalt  }
0x5d: {  	_ =	shalt  }
0x5e: {  	_ =	shalt  }
0x5f: {  	_ =	shalt  }
0x60: {  	_ =	shalt  }
0x61: {  	_ =	shalt  }
0x62: {  	_ =	shalt  }
0x63: {  	_ =	shalt  }
0x64: {  	_ =	shalt  }
0x65: {  	_ =	shalt  }
0x66: {  	_ =	shalt  }
0x67: {  	_ =	shalt  }
0x68: {  	_ =	shalt  }
0x69: {  	_ =	shalt  }
0x6a: {  	_ =	shalt  }
0x6b: {  	_ =	shalt  }
0x6c: {  	_ =	shalt  }
0x6d: {  	_ =	shalt  }
0x6e: {  	_ =	shalt  }
0x6f: {  	_ =	shalt  }
0x70: {  	_ =	shalt  }
0x71: {  	_ =	shalt  }
0x72: {  	_ =	shalt  }
0x73: {  	_ =	shalt  }
0x74: {  	_ =	shalt  }
0x75: {  	_ =	shalt  }
0x76: {  	_ =	shalt  }
0x77: {  	_ =	shalt  }
0x78: {  	_ =	shalt  }
0x79: {  	_ =	shalt  }
0x7a: {  	_ =	shalt  }
0x7b: {  	_ =	shalt  }
0x7c: {  	_ =	shalt  }
0x7d: {  	_ =	shalt  }
0x7e: {  	_ =	shalt  }
0x7f: {  	_ =	shalt  }
0x80: {  	_ =	shalt  }
0x81: {  	_ =	shalt  }
0x82: {  	_ =	shalt  }
0x83: {  	_ =	shalt  }
0x84: {  	_ =	shalt  }
0x85: {  	_ =	shalt  }
0x86: {  	_ =	shalt  }
0x87: {  	_ =	shalt  }
.Lfunc_end0:
.L_simem_size_0:
called_computation_lowered:
.L_overlay_start_0:
0x88: {  	s2 =	sld [smem:$0x3FD9]  }
0x89: {  	s3 =	sld [smem:$0x3FFE];
	_ =	sdelay $0x1  }
0x8a: {  	s1 =	srdreg.scid  }
0x8b: {  	s0 =	sand.u32 $0x1, s1  }
0x8c: {  	s17 =	sshll.u32 s0, $0xA;
	s2 =	sadd.s32 s3, s2  }
0x8d: {  	s2 =	sadd.s32 s2, s17  }
0x8e: {  	[smem:$0x3FC4] =	sst s2  }
0x8f: {  	_ = 	snop  }
0x90: {  	s2 =	sld [smem:$0x3FD0];
	(tm) =	ssettm $0x1  }
0x91: {  	s18 =	sld [smem:$0x3FFB];
	_ =	sdelay $0x3  }
0x92: {  	_ =	strace s18  }
0x93: {  	s3 =	sld [smem:$0x3FFC];
	_ =	sdelay $0x3  }
0x94: {  	_ =	strace s3  }
0x95: {  	s3 =	sld [smem:$0x3FFD];
	_ =	sdelay $0x3  }
0x96: {  	_ =	strace s3  }
0x97: {  	_ =	strace $0x8FFFFFFF  }
0x98: {  	s19 =	sld [smem:$0x3FDB];
	_ =	sdelay $0x1  }
0x99: {  	s4 =	simm.s32 $_scs_section_size  }
0x9a: {  	s5 =	simm.s32 $_size__tile_overlayer_lowered;
	s6 =	simm.s32 $_tile_overlayer_lowered  }
0x9b: {  	s22 =	simm.s32 $0x1BFF;
	s21 =	sshll.u32 s6, $0x1;
	s3 =	sadd.s32 s4, s19  }
0x9c: {  	s7 =	simm.s32 $0x0;
	s20 =	sshll.u32 s5, $0x1;
	s5 =	sadd.s32 s21, s3  }
0x9d: {  	[timem:s7], [sflag:s22] =	dma.local [hbm:s5], s20  }
0x9e: {  	_ =	swait.ge [sflag:s22], s20  }
0x9f: {  	s4 =	ssub.s32 $0x0, s20;
	[sflag:s22] =	ssyncset.done $0x0  }
0xa0: {  	[sflag:s22] =	ssyncadd.s32 s4;
	_ =	sdelay $0x1  }
0xa1: {  	s23 =	simm.s32 $0x1B8B  }
0xa2: {  	_ =	swait.ge [sflag:s23], $0x1  }
0xa3: {  	[sflag:s23] =	ssyncset.done $0x0  }
0xa4: {  	s25 =	simm.s32 $0x1B8E;
	s24 =	sld [smem:$0x3FFE];
	[sflag:s23] =	ssyncadd.s32 $0xFFFFFFFF  }
0xa5: {  	s26 =	simm.s32 $execute0_lowered;
	[smem:$0x3FD2] =	sst s25  }
0xa6: {  	s5 =	sshll.u32 s26, $0x1;
	_ =	strace $0x80000046;
	[dreg:$0x1] =	wrdreg $0xFFFFFFFF  }
0xa7: {  	s28 =	simm.s32 $_size_execute0_lowered;
	s3 =	sadd.s32 s3, s5;
	[dreg:$0x0] =	wrdreg $0x0  }
0xa8: {  	s5 =	sshll.u32 s28, $0x1;
	[dreg:$0x2] =	wrdreg s3  }
0xa9: {  	[dreg:$0x3] =	wrdreg s5  }
0xaa: {  	[dreg:$0x4] =	wrdreg $0xC0  }
0xab: {  	_ =	task [dreg:s7], $0x5FFFF  }
0xac: {  	[dreg:$0x1] =	wrdreg $0xFFFFFFFF  }
0xad: {  	[dreg:$0x0] =	wrdreg $0x60  }
0xae: {  	[dreg:$0x2] =	wrdreg s24  }
0xaf: {  	[dreg:$0x3] =	wrdreg s2  }
0xb0: {  	[dreg:$0x4] =	wrdreg $0x9  }
0xb1: {  	_ =	task.clear_ibuf [dreg:s7], $0x5FFFF;
	_ =	strace $0x90000046  }
0xb2: {  	s29 =	simm.s32 $0x9;
	_ =	strace $0x80000048  }
0xb3: {  	_ =	swait.ge [sflag:s29], $0x1  }
0xb4: {  	[sflag:s29] =	ssyncadd.s32 $0xFFFFFFFF  }
0xb5: {  	_ =	strace $0x90000048  }
0xb6: {  	_ =	sfence  }
0xb7: {  	s30 =	sld [smem:$0x0];
	_ =	sdelay $0x2  }
0xb8: {  	s31 =	sshll.u32 s1, $0xD;
	s1 =	sshrl.u32 s1, $0x2  }
0xb9: {  	s3 =	sand.u32 $0x4000, s31;
	s1 =	sadd.s32 s1, s30  }
0xba: {  	s0 =	sor.u32 s3, s0;
	s1 =	sshll.u32 s1, $0x11  }
0xbb: {  	s0 =	sor.u32 s1, s0  }
0xbc: {  	s0 =	sadd.s32 $0x8F2B, s0  }
0xbd: {  	[sflag:s0] =	ssyncadd.remote.s32 $0x1  }
0xbe: {  	_ =	sfence.sel $0xFFFF  }
0xbf: {  	[dreg:$0x0] =	wrdreg $0xFFFFFFFF;
	(pc) =	sbr.abs _section_cstart, $3  }
0xc0: {  	[dreg:$0x1] =	wrdreg $0xFFFFFFFF  }
0xc1: {  	_ =	task.clear_ibuf [dreg:s7], $0x2FFFF;
	_ =	strace $0x9FFFFFFF  }
0xc2: {  	(tm) =	ssettm $0x7FFFFFFF  }
0xc3: {  	_ =	shalt  }
tec
execute0_lowered:
.L_overlay_start_1:
0x0: {  	(tag) =	ssettag $0x1  }
0x1: {  	s4 =	rddreg [dreg:$0x0];
	s1 =	srdreg.scid  }
0x2: {  	s0 =	stileid.u32;
	s5 =	rddreg [dreg:$0x1];
	s2 =	simm.s32 $0x0  }
0x3: {  	s9 =	simm.s32 $0x1;
	s10 =	simm.s32 $0xC800;
	s11 =	simm.s32 $0x0  }
0x4: {  	s6 =	sand.u32 $0x1, s1;
	s3 =	sshll.u32 s0, $0x1;
	s1 =	rddreg [dreg:$0x2]  }
0x5: {  	[smem:$0x7FF] =	sst s2;
	s7 =	sor.u32 s6, s3;
	s6 =	ssub.s32 $0x2, s6  }
0x6: {  	_ =	strace $0x80000047;
	s8 =	smul.u32 $0xC80, s7;
	s31 =	sshrl.u32 s6, $0x1  }
0x7: {  	s3 =	sadd.s32 $0x800, s4;
	s7 =	sshll.u32 s7, $0x4;
	s6 =	ssub.s32 s6, s31  }
0x8: {  	s5 =	sadd.s32 s5, s7;
	s7 =	simm.s32 $0x2;
	s4 =	sadd.s32 s8, s4  }
0x9: {  	s6 =	smax.u32 s6, $0x1;
	s8 =	simm.s32 $0x80;
	s4 =	sadd.s32 $0x1F200, s4  }
.LBB2_1:
0xa: {  	[tilespmem:s2], [sflag:$0x2] =	stream.linear.gather [hbm4b:s4+s2], $0x6400, $0x38;
	[tilespmem:$0xC880] =	vst v63  }
0xb: {  	_ =	swait.ge [sflag:s7], $0x6400  }
0xc: {  	[sflag:s7] =	ssyncset.done $0x0  }
0xd: {  	s12 =	simm.s32 $0x0;
	s13 =	simm.s32 $0x6400;
	[sflag:s7] =	ssyncadd.s32 $0xFFFF9C00  }
0xe: {  	[tilespmem:s13], [sflag:$0x1] =	stream.indirect.gather [hbm4b:s3+s8], $0x1, s12, s8, $0xb8;
	[tilespmem:$0xC880] =	vst v63  }
0xf: {  	s19 =	simm.s32 $0x6480;
	s20 =	simm.s32 $0x80  }
0x10: {  	[tilespmem:s19], [sflag:$0x1] =	stream.indirect.gather [hbm4b:s3+s8], $0x1, s20, s8, $0xb8;
	[tilespmem:$0xC880] =	vst v63  }
0x11: {  	s21 =	simm.s32 $0x6500;
	s22 =	simm.s32 $0x100  }
0x12: {  	[tilespmem:s21], [sflag:$0x1] =	stream.indirect.gather [hbm4b:s3+s8], $0x1, s22, s8, $0xb8;
	[tilespmem:$0xC880] =	vst v63  }
0x13: {  	s23 =	simm.s32 $0x6580;
	s24 =	simm.s32 $0x180  }
0x14: {  	[tilespmem:s23], [sflag:$0x1] =	stream.indirect.gather [hbm4b:s3+s8], $0x1, s24, s8, $0xb8;
	[tilespmem:$0xC880] =	vst v63  }
0x15: {  	s25 =	simm.s32 $0x6600;
	s26 =	simm.s32 $0x200  }
0x16: {  	[tilespmem:s25], [sflag:$0x1] =	stream.indirect.gather [hbm4b:s3+s8], $0x1, s26, s8, $0xb8;
	[tilespmem:$0xC880] =	vst v63  }
0x17: {  	s28 =	simm.s32 $0x6680;
	s29 =	simm.s32 $0x280  }
0x18: {  	[tilespmem:s28], [sflag:$0x1] =	stream.indirect.gather [hbm4b:s3+s8], $0x1, s29, s8, $0xb8;
	[tilespmem:$0xC880] =	vst v63  }
0x19: {  	s30 =	simm.s32 $0x6700;
	s31 =	simm.s32 $0x300  }
0x1a: {  	[tilespmem:s30], [sflag:$0x1] =	stream.indirect.gather [hbm4b:s3+s8], $0x1, s31, s8, $0xb8;
	[tilespmem:$0xC880] =	vst v63  }
0x1b: {  	s14 =	simm.s32 $0x380;
	s13 =	simm.s32 $0x6780  }
0x1c: {  	[tilespmem:s13], [sflag:$0x1] =	stream.indirect.gather [hbm4b:s3+s8], $0x1, s14, s8, $0xb8;
	[tilespmem:$0xC880] =	vst v63  }
0x1d: {  	s15 =	simm.s32 $0x6800;
	s16 =	simm.s32 $0x400  }
0x1e: {  	[tilespmem:s15], [sflag:$0x1] =	stream.indirect.gather [hbm4b:s3+s8], $0x1, s16, s8, $0xb8;
	[tilespmem:$0xC880] =	vst v63  }
0x1f: {  	s17 =	simm.s32 $0x6880;
	s18 =	simm.s32 $0x480  }
0x20: {  	[tilespmem:s17], [sflag:$0x1] =	stream.indirect.gather [hbm4b:s3+s8], $0x1, s18, s8, $0xb8;
	[tilespmem:$0xC880] =	vst v63  }
0x21: {  	s19 =	simm.s32 $0x6900;
	s20 =	simm.s32 $0x500  }
0x22: {  	[tilespmem:s19], [sflag:$0x1] =	stream.indirect.gather [hbm4b:s3+s8], $0x1, s20, s8, $0xb8;
	[tilespmem:$0xC880] =	vst v63  }
0x23: {  	s21 =	simm.s32 $0x6980;
	s22 =	simm.s32 $0x580  }
0x24: {  	[tilespmem:s21], [sflag:$0x1] =	stream.indirect.gather [hbm4b:s3+s8], $0x1, s22, s8, $0xb8;
	[tilespmem:$0xC880] =	vst v63  }
0x25: {  	s23 =	simm.s32 $0x6A00;
	s24 =	simm.s32 $0x600  }
0x26: {  	[tilespmem:s23], [sflag:$0x1] =	stream.indirect.gather [hbm4b:s3+s8], $0x1, s24, s8, $0xb8;
	[tilespmem:$0xC880] =	vst v63  }
0x27: {  	s25 =	simm.s32 $0x6A80;
	s26 =	simm.s32 $0x680  }
0x28: {  	[tilespmem:s25], [sflag:$0x1] =	stream.indirect.gather [hbm4b:s3+s8], $0x1, s26, s8, $0xb8;
	[tilespmem:$0xC880] =	vst v63  }
0x29: {  	s28 =	simm.s32 $0x6B00;
	s29 =	simm.s32 $0x700  }
0x2a: {  	[tilespmem:s28], [sflag:$0x1] =	stream.indirect.gather [hbm4b:s3+s8], $0x1, s29, s8, $0xb8;
	[tilespmem:$0xC880] =	vst v63  }
0x2b: {  	s30 =	simm.s32 $0x6B80;
	s31 =	simm.s32 $0x780  }
0x2c: {  	[tilespmem:s30], [sflag:$0x1] =	stream.indirect.gather [hbm4b:s3+s8], $0x1, s31, s8, $0xb8;
	[tilespmem:$0xC880] =	vst v63  }
0x2d: {  	_ =	swait.ge [sflag:s9], $0x80  }
0x2e: {  	[sflag:s9] =	ssyncset.done $0x0  }
0x2f: {  	[sflag:s9] =	ssyncadd.s32 $0xFFFFFF80  }
0x30: {  	_ =	swait.ge [sflag:s9], $0x80  }
0x31: {  	[sflag:s9] =	ssyncset.done $0x0  }
0x32: {  	[sflag:s9] =	ssyncadd.s32 $0xFFFFFF80  }
0x33: {  	_ =	swait.ge [sflag:s9], $0x80  }
0x34: {  	[sflag:s9] =	ssyncset.done $0x0  }
0x35: {  	[sflag:s9] =	ssyncadd.s32 $0xFFFFFF80  }
0x36: {  	_ =	swait.ge [sflag:s9], $0x80  }
0x37: {  	[sflag:s9] =	ssyncset.done $0x0  }
0x38: {  	[sflag:s9] =	ssyncadd.s32 $0xFFFFFF80  }
0x39: {  	_ =	swait.ge [sflag:s9], $0x80  }
0x3a: {  	[sflag:s9] =	ssyncset.done $0x0  }
0x3b: {  	[sflag:s9] =	ssyncadd.s32 $0xFFFFFF80  }
0x3c: {  	_ =	swait.ge [sflag:s9], $0x80  }
0x3d: {  	[sflag:s9] =	ssyncset.done $0x0  }
0x3e: {  	[sflag:s9] =	ssyncadd.s32 $0xFFFFFF80  }
0x3f: {  	_ =	swait.ge [sflag:s9], $0x80  }
0x40: {  	[sflag:s9] =	ssyncset.done $0x0  }
0x41: {  	[sflag:s9] =	ssyncadd.s32 $0xFFFFFF80  }
0x42: {  	_ =	swait.ge [sflag:s9], $0x80  }
0x43: {  	[sflag:s9] =	ssyncset.done $0x0  }
0x44: {  	[sflag:s9] =	ssyncadd.s32 $0xFFFFFF80  }
0x45: {  	_ =	swait.ge [sflag:s9], $0x80  }
0x46: {  	[sflag:s9] =	ssyncset.done $0x0  }
0x47: {  	[sflag:s9] =	ssyncadd.s32 $0xFFFFFF80  }
0x48: {  	_ =	swait.ge [sflag:s9], $0x80  }
0x49: {  	[sflag:s9] =	ssyncset.done $0x0  }
0x4a: {  	[sflag:s9] =	ssyncadd.s32 $0xFFFFFF80  }
0x4b: {  	_ =	swait.ge [sflag:s9], $0x80  }
0x4c: {  	[sflag:s9] =	ssyncset.done $0x0  }
0x4d: {  	[sflag:s9] =	ssyncadd.s32 $0xFFFFFF80  }
0x4e: {  	_ =	swait.ge [sflag:s9], $0x80  }
0x4f: {  	[sflag:s9] =	ssyncset.done $0x0  }
0x50: {  	[sflag:s9] =	ssyncadd.s32 $0xFFFFFF80  }
0x51: {  	_ =	swait.ge [sflag:s9], $0x80  }
0x52: {  	[sflag:s9] =	ssyncset.done $0x0  }
0x53: {  	[sflag:s9] =	ssyncadd.s32 $0xFFFFFF80  }
0x54: {  	_ =	swait.ge [sflag:s9], $0x80  }
0x55: {  	[sflag:s9] =	ssyncset.done $0x0  }
0x56: {  	[sflag:s9] =	ssyncadd.s32 $0xFFFFFF80  }
0x57: {  	_ =	swait.ge [sflag:s9], $0x80  }
0x58: {  	[sflag:s9] =	ssyncset.done $0x0  }
0x59: {  	[sflag:s9] =	ssyncadd.s32 $0xFFFFFF80  }
0x5a: {  	_ =	swait.ge [sflag:s9], $0x80  }
0x5b: {  	s14 =	simm.s32 $0x800;
	s15 =	simm.s32 $0x4000;
	[sflag:s9] =	ssyncset.done $0x0  }
.LBB2_2:
0x5c: {  	s16 =	sadd.s32 $0x6400, s14  }
0x5d: {  	[sflag:s9] =	ssyncadd.s32 $0xFFFFFF80;
	s13 =	smov.u32 s15;
	s12 =	sadd.s32 $0x2000, s15  }
0x5e: {  	[tilespmem:s16], [sflag:$0x1] =	stream.indirect.gather [hbm4b:s3+s8], $0x1, s14, s8, $0xb8;
	[tilespmem:$0xC880] =	vst v63  }
0x5f: {  	p0 =	sne.s32 s15, $0x18000;
	s15 =	sadd.s32 $0x6480, s14;
	s16 =	sadd.s32 $0x80, s14  }
0x60: {  	[tilespmem:s15], [sflag:$0x1] =	stream.indirect.gather [hbm4b:s3+s8], $0x1, s16, s8, $0xb8;
	[tilespmem:$0xC880] =	vst v63  }
0x61: {  	s15 =	sadd.s32 $0x6500, s14;
	s16 =	sadd.s32 $0x100, s14  }
0x62: {  	[tilespmem:s15], [sflag:$0x1] =	stream.indirect.gather [hbm4b:s3+s8], $0x1, s16, s8, $0xb8;
	[tilespmem:$0xC880] =	vst v63  }
0x63: {  	s15 =	sadd.s32 $0x6580, s14;
	s16 =	sadd.s32 $0x180, s14  }
0x64: {  	[tilespmem:s15], [sflag:$0x1] =	stream.indirect.gather [hbm4b:s3+s8], $0x1, s16, s8, $0xb8;
	[tilespmem:$0xC880] =	vst v63  }
0x65: {  	s15 =	sadd.s32 $0x6600, s14;
	s16 =	sadd.s32 $0x200, s14  }
0x66: {  	[tilespmem:s15], [sflag:$0x1] =	stream.indirect.gather [hbm4b:s3+s8], $0x1, s16, s8, $0xb8;
	[tilespmem:$0xC880] =	vst v63  }
0x67: {  	s15 =	sadd.s32 $0x6680, s14;
	s16 =	sadd.s32 $0x280, s14  }
0x68: {  	[tilespmem:s15], [sflag:$0x1] =	stream.indirect.gather [hbm4b:s3+s8], $0x1, s16, s8, $0xb8;
	[tilespmem:$0xC880] =	vst v63  }
0x69: {  	s15 =	sadd.s32 $0x6700, s14;
	s16 =	sadd.s32 $0x300, s14  }
0x6a: {  	[tilespmem:s15], [sflag:$0x1] =	stream.indirect.gather [hbm4b:s3+s8], $0x1, s16, s8, $0xb8;
	[tilespmem:$0xC880] =	vst v63  }
0x6b: {  	s15 =	sadd.s32 $0x6780, s14;
	s16 =	sadd.s32 $0x380, s14  }
0x6c: {  	[tilespmem:s15], [sflag:$0x1] =	stream.indirect.gather [hbm4b:s3+s8], $0x1, s16, s8, $0xb8;
	[tilespmem:$0xC880] =	vst v63  }
0x6d: {  	s15 =	sadd.s32 $0x6800, s14;
	s16 =	sadd.s32 $0x400, s14  }
0x6e: {  	[tilespmem:s15], [sflag:$0x1] =	stream.indirect.gather [hbm4b:s3+s8], $0x1, s16, s8, $0xb8;
	[tilespmem:$0xC880] =	vst v63  }
0x6f: {  	s15 =	sadd.s32 $0x6880, s14;
	s16 =	sadd.s32 $0x480, s14  }
0x70: {  	[tilespmem:s15], [sflag:$0x1] =	stream.indirect.gather [hbm4b:s3+s8], $0x1, s16, s8, $0xb8;
	[tilespmem:$0xC880] =	vst v63  }
0x71: {  	s15 =	sadd.s32 $0x6900, s14;
	s16 =	sadd.s32 $0x500, s14  }
0x72: {  	[tilespmem:s15], [sflag:$0x1] =	stream.indirect.gather [hbm4b:s3+s8], $0x1, s16, s8, $0xb8;
	[tilespmem:$0xC880] =	vst v63  }
0x73: {  	s15 =	sadd.s32 $0x6980, s14;
	s16 =	sadd.s32 $0x580, s14  }
0x74: {  	[tilespmem:s15], [sflag:$0x1] =	stream.indirect.gather [hbm4b:s3+s8], $0x1, s16, s8, $0xb8;
	[tilespmem:$0xC880] =	vst v63  }
0x75: {  	s15 =	sadd.s32 $0x6A00, s14;
	s16 =	sadd.s32 $0x600, s14  }
0x76: {  	[tilespmem:s15], [sflag:$0x1] =	stream.indirect.gather [hbm4b:s3+s8], $0x1, s16, s8, $0xb8;
	[tilespmem:$0xC880] =	vst v63  }
0x77: {  	s15 =	sadd.s32 $0x6A80, s14;
	s16 =	sadd.s32 $0x680, s14  }
0x78: {  	[tilespmem:s15], [sflag:$0x1] =	stream.indirect.gather [hbm4b:s3+s8], $0x1, s16, s8, $0xb8;
	[tilespmem:$0xC880] =	vst v63  }
0x79: {  	s15 =	sadd.s32 $0x6B00, s14;
	s16 =	sadd.s32 $0x700, s14  }
0x7a: {  	[tilespmem:s15], [sflag:$0x1] =	stream.indirect.gather [hbm4b:s3+s8], $0x1, s16, s8, $0xb8;
	[tilespmem:$0xC880] =	vst v63  }
0x7b: {  	s15 =	sadd.s32 $0x6B80, s14;
	s14 =	sadd.s32 $0x780, s14  }
0x7c: {  	[tilespmem:s15], [sflag:$0x1] =	stream.indirect.gather [hbm4b:s3+s8], $0x1, s14, s8, $0xb8;
	[tilespmem:$0xC880] =	vst v63  }
0x7d: {  	_ =	swait.ge [sflag:s9], $0x80  }
0x7e: {  	[sflag:s9] =	ssyncset.done $0x0  }
0x7f: {  	[sflag:s9] =	ssyncadd.s32 $0xFFFFFF80  }
0x80: {  	_ =	swait.ge [sflag:s9], $0x80  }
0x81: {  	[sflag:s9] =	ssyncset.done $0x0  }
0x82: {  	[sflag:s9] =	ssyncadd.s32 $0xFFFFFF80  }
0x83: {  	_ =	swait.ge [sflag:s9], $0x80  }
0x84: {  	[sflag:s9] =	ssyncset.done $0x0  }
0x85: {  	[sflag:s9] =	ssyncadd.s32 $0xFFFFFF80  }
0x86: {  	_ =	swait.ge [sflag:s9], $0x80  }
0x87: {  	[sflag:s9] =	ssyncset.done $0x0  }
0x88: {  	[sflag:s9] =	ssyncadd.s32 $0xFFFFFF80  }
0x89: {  	_ =	swait.ge [sflag:s9], $0x80  }
0x8a: {  	[sflag:s9] =	ssyncset.done $0x0  }
0x8b: {  	[sflag:s9] =	ssyncadd.s32 $0xFFFFFF80  }
0x8c: {  	_ =	swait.ge [sflag:s9], $0x80  }
0x8d: {  	[sflag:s9] =	ssyncset.done $0x0  }
0x8e: {  	[sflag:s9] =	ssyncadd.s32 $0xFFFFFF80  }
0x8f: {  	_ =	swait.ge [sflag:s9], $0x80  }
0x90: {  	[sflag:s9] =	ssyncset.done $0x0  }
0x91: {  	[sflag:s9] =	ssyncadd.s32 $0xFFFFFF80  }
0x92: {  	_ =	swait.ge [sflag:s9], $0x80  }
0x93: {  	[sflag:s9] =	ssyncset.done $0x0  }
0x94: {  	[sflag:s9] =	ssyncadd.s32 $0xFFFFFF80  }
0x95: {  	_ =	swait.ge [sflag:s9], $0x80  }
0x96: {  	[sflag:s9] =	ssyncset.done $0x0  }
0x97: {  	[sflag:s9] =	ssyncadd.s32 $0xFFFFFF80  }
0x98: {  	_ =	swait.ge [sflag:s9], $0x80  }
0x99: {  	[sflag:s9] =	ssyncset.done $0x0  }
0x9a: {  	[sflag:s9] =	ssyncadd.s32 $0xFFFFFF80  }
0x9b: {  	_ =	swait.ge [sflag:s9], $0x80  }
0x9c: {  	[sflag:s9] =	ssyncset.done $0x0  }
0x9d: {  	[sflag:s9] =	ssyncadd.s32 $0xFFFFFF80  }
0x9e: {  	_ =	swait.ge [sflag:s9], $0x80  }
0x9f: {  	[sflag:s9] =	ssyncset.done $0x0  }
0xa0: {  	[sflag:s9] =	ssyncadd.s32 $0xFFFFFF80  }
0xa1: {  	_ =	swait.ge [sflag:s9], $0x80  }
0xa2: {  	[sflag:s9] =	ssyncset.done $0x0  }
0xa3: {  	[sflag:s9] =	ssyncadd.s32 $0xFFFFFF80  }
0xa4: {  	_ =	swait.ge [sflag:s9], $0x80  }
0xa5: {  	[sflag:s9] =	ssyncset.done $0x0  }
0xa6: {  	[sflag:s9] =	ssyncadd.s32 $0xFFFFFF80  }
.Ltmp0:
0xa7: {  	_ =	swait.ge [sflag:s9], $0x80;
	(pc) =	sbr.rel @p0 .LBB2_2-.Ltmp0, $4  }
0xa8: {  	[sflag:s9] =	ssyncset.done $0x0  }
0xa9: {  	[sflag:s9] =	ssyncadd.s32 $0xFFFFFF80  }
0xaa: {  	_ =	swait.ge [sflag:s9], $0x80  }
0xab: {  	s14 =	sshra.s32 s13, $0x2;
	s15 =	smov.u32 s12;
	[sflag:s9] =	ssyncset.done $0x0  }
0xac: {  	s12 =	sadd.s32 $0x6400, s14;
	[sflag:s9] =	ssyncadd.s32 $0xFFFFFF80  }
0xad: {  	[tilespmem:s12], [sflag:$0x1] =	stream.indirect.gather [hbm4b:s3+s8], $0x1, s14, s8, $0xb8;
	[tilespmem:$0xC880] =	vst v63  }
0xae: {  	s18 =	sadd.s32 $0x6480, s14;
	s13 =	sadd.s32 $0x80, s14  }
0xaf: {  	[tilespmem:s18], [sflag:$0x1] =	stream.indirect.gather [hbm4b:s3+s8], $0x1, s13, s8, $0xb8;
	[tilespmem:$0xC880] =	vst v63  }
0xb0: {  	s19 =	sadd.s32 $0x6500, s14;
	s20 =	sadd.s32 $0x100, s14  }
0xb1: {  	[tilespmem:s19], [sflag:$0x1] =	stream.indirect.gather [hbm4b:s3+s8], $0x1, s20, s8, $0xb8;
	[tilespmem:$0xC880] =	vst v63  }
0xb2: {  	s21 =	sadd.s32 $0x6580, s14;
	s22 =	sadd.s32 $0x180, s14  }
0xb3: {  	[tilespmem:s21], [sflag:$0x1] =	stream.indirect.gather [hbm4b:s3+s8], $0x1, s22, s8, $0xb8;
	[tilespmem:$0xC880] =	vst v63  }
0xb4: {  	s23 =	sadd.s32 $0x6600, s14;
	s24 =	sadd.s32 $0x200, s14  }
0xb5: {  	[tilespmem:s23], [sflag:$0x1] =	stream.indirect.gather [hbm4b:s3+s8], $0x1, s24, s8, $0xb8;
	[tilespmem:$0xC880] =	vst v63  }
0xb6: {  	s25 =	sadd.s32 $0x6680, s14;
	s26 =	sadd.s32 $0x280, s14  }
0xb7: {  	[tilespmem:s25], [sflag:$0x1] =	stream.indirect.gather [hbm4b:s3+s8], $0x1, s26, s8, $0xb8;
	[tilespmem:$0xC880] =	vst v63  }
0xb8: {  	s28 =	sadd.s32 $0x6700, s14;
	s29 =	sadd.s32 $0x300, s14  }
0xb9: {  	[tilespmem:s28], [sflag:$0x1] =	stream.indirect.gather [hbm4b:s3+s8], $0x1, s29, s8, $0xb8;
	[tilespmem:$0xC880] =	vst v63  }
0xba: {  	s30 =	sadd.s32 $0x6780, s14;
	s31 =	sadd.s32 $0x380, s14  }
0xbb: {  	[tilespmem:s30], [sflag:$0x1] =	stream.indirect.gather [hbm4b:s3+s8], $0x1, s31, s8, $0xb8;
	[tilespmem:$0xC880] =	vst v63  }
0xbc: {  	s15 =	sadd.s32 $0x400, s14;
	s13 =	sadd.s32 $0x6800, s14  }
0xbd: {  	[tilespmem:s13], [sflag:$0x1] =	stream.indirect.gather [hbm4b:s3+s8], $0x1, s15, s8, $0xb8;
	[tilespmem:$0xC880] =	vst v63  }
0xbe: {  	s16 =	sadd.s32 $0x6880, s14;
	s17 =	sadd.s32 $0x480, s14  }
0xbf: {  	[tilespmem:s16], [sflag:$0x1] =	stream.indirect.gather [hbm4b:s3+s8], $0x1, s17, s8, $0xb8;
	[tilespmem:$0xC880] =	vst v63  }
0xc0: {  	s18 =	sadd.s32 $0x6900, s14;
	s19 =	sadd.s32 $0x500, s14  }
0xc1: {  	[tilespmem:s18], [sflag:$0x1] =	stream.indirect.gather [hbm4b:s3+s8], $0x1, s19, s8, $0xb8;
	[tilespmem:$0xC880] =	vst v63  }
0xc2: {  	s20 =	sadd.s32 $0x6980, s14;
	s21 =	sadd.s32 $0x580, s14  }
0xc3: {  	[tilespmem:s20], [sflag:$0x1] =	stream.indirect.gather [hbm4b:s3+s8], $0x1, s21, s8, $0xb8;
	[tilespmem:$0xC880] =	vst v63  }
0xc4: {  	s22 =	sadd.s32 $0x6A00, s14;
	s23 =	sadd.s32 $0x600, s14  }
0xc5: {  	[tilespmem:s22], [sflag:$0x1] =	stream.indirect.gather [hbm4b:s3+s8], $0x1, s23, s8, $0xb8;
	[tilespmem:$0xC880] =	vst v63  }
0xc6: {  	s24 =	sadd.s32 $0x6A80, s14;
	s25 =	sadd.s32 $0x680, s14  }
0xc7: {  	[tilespmem:s24], [sflag:$0x1] =	stream.indirect.gather [hbm4b:s3+s8], $0x1, s25, s8, $0xb8;
	[tilespmem:$0xC880] =	vst v63  }
0xc8: {  	s26 =	sadd.s32 $0x6B00, s14;
	s28 =	sadd.s32 $0x700, s14  }
0xc9: {  	[tilespmem:s26], [sflag:$0x1] =	stream.indirect.gather [hbm4b:s3+s8], $0x1, s28, s8, $0xb8;
	[tilespmem:$0xC880] =	vst v63  }
0xca: {  	s29 =	sadd.s32 $0x6B80, s14;
	s30 =	sadd.s32 $0x780, s14  }
0xcb: {  	[tilespmem:s29], [sflag:$0x1] =	stream.indirect.gather [hbm4b:s3+s8], $0x1, s30, s8, $0xb8;
	[tilespmem:$0xC880] =	vst v63  }
0xcc: {  	_ =	swait.ge [sflag:s9], $0x80  }
0xcd: {  	[sflag:s9] =	ssyncset.done $0x0  }
0xce: {  	[sflag:s9] =	ssyncadd.s32 $0xFFFFFF80  }
0xcf: {  	_ =	swait.ge [sflag:s9], $0x80  }
0xd0: {  	[sflag:s9] =	ssyncset.done $0x0  }
0xd1: {  	[sflag:s9] =	ssyncadd.s32 $0xFFFFFF80  }
0xd2: {  	_ =	swait.ge [sflag:s9], $0x80  }
0xd3: {  	[sflag:s9] =	ssyncset.done $0x0  }
0xd4: {  	[sflag:s9] =	ssyncadd.s32 $0xFFFFFF80  }
0xd5: {  	_ =	swait.ge [sflag:s9], $0x80  }
0xd6: {  	[sflag:s9] =	ssyncset.done $0x0  }
0xd7: {  	[sflag:s9] =	ssyncadd.s32 $0xFFFFFF80  }
0xd8: {  	_ =	swait.ge [sflag:s9], $0x80  }
0xd9: {  	[sflag:s9] =	ssyncset.done $0x0  }
0xda: {  	[sflag:s9] =	ssyncadd.s32 $0xFFFFFF80  }
0xdb: {  	_ =	swait.ge [sflag:s9], $0x80  }
0xdc: {  	[sflag:s9] =	ssyncset.done $0x0  }
0xdd: {  	[sflag:s9] =	ssyncadd.s32 $0xFFFFFF80  }
0xde: {  	_ =	swait.ge [sflag:s9], $0x80  }
0xdf: {  	[sflag:s9] =	ssyncset.done $0x0  }
0xe0: {  	[sflag:s9] =	ssyncadd.s32 $0xFFFFFF80  }
0xe1: {  	_ =	swait.ge [sflag:s9], $0x80  }
0xe2: {  	[sflag:s9] =	ssyncset.done $0x0  }
0xe3: {  	[sflag:s9] =	ssyncadd.s32 $0xFFFFFF80  }
0xe4: {  	_ =	swait.ge [sflag:s9], $0x80  }
0xe5: {  	[sflag:s9] =	ssyncset.done $0x0  }
0xe6: {  	[sflag:s9] =	ssyncadd.s32 $0xFFFFFF80  }
0xe7: {  	_ =	swait.ge [sflag:s9], $0x80  }
0xe8: {  	[sflag:s9] =	ssyncset.done $0x0  }
0xe9: {  	[sflag:s9] =	ssyncadd.s32 $0xFFFFFF80  }
0xea: {  	_ =	swait.ge [sflag:s9], $0x80  }
0xeb: {  	[sflag:s9] =	ssyncset.done $0x0  }
0xec: {  	[sflag:s9] =	ssyncadd.s32 $0xFFFFFF80  }
0xed: {  	_ =	swait.ge [sflag:s9], $0x80  }
0xee: {  	[sflag:s9] =	ssyncset.done $0x0  }
0xef: {  	[sflag:s9] =	ssyncadd.s32 $0xFFFFFF80  }
0xf0: {  	_ =	swait.ge [sflag:s9], $0x80  }
0xf1: {  	[sflag:s9] =	ssyncset.done $0x0  }
0xf2: {  	[sflag:s9] =	ssyncadd.s32 $0xFFFFFF80  }
0xf3: {  	_ =	swait.ge [sflag:s9], $0x80  }
0xf4: {  	[sflag:s9] =	ssyncset.done $0x0  }
0xf5: {  	[sflag:s9] =	ssyncadd.s32 $0xFFFFFF80  }
0xf6: {  	_ =	swait.ge [sflag:s9], $0x80  }
0xf7: {  	[sflag:s9] =	ssyncset.done $0x0  }
0xf8: {  	[sflag:s9] =	ssyncadd.s32 $0xFFFFFF80  }
0xf9: {  	_ =	swait.ge [sflag:s9], $0x80  }
0xfa: {  	[sflag:s9] =	ssyncset.done $0x0  }
0xfb: {  	s31 =	simm.s32 $0x0;
	[sflag:s9] =	ssyncadd.s32 $0xFFFFFF80  }
0xfc: {  	v0 =	vld [tilespmem:s31+$0x6470]  }
0xfd: {  	v1 =	vld [tilespmem:s31+$0x6400]  }
0xfe: {  	v2 =	vld [tilespmem:s31+$0x6410]  }
0xff: {  	v10 =	vld [tilespmem:s31+$0x6420]  }
0x100: {  	v8 =	vld [tilespmem:s31+$0x6430]  }
0x101: {  	v9 =	vimm.f32 $0.0e+00;
	v7 =	vimm.f32 $0.0e+00;
	v5 =	vld [tilespmem:s31+$0x6440]  }
0x102: {  	v6 =	vimm.f32 $0.0e+00;
	v3 =	vimm.f32 $0.0e+00;
	v4 =	vld [tilespmem:s31+$0x6450];
	v0 =	vadd.f32 v0, v9  }
0x103: {  	s12 =	simm.s32 $0x80;
	s13 =	simm.s32 $0x400;
	v12 =	vadd.f32 v1, v9;
	v11 =	vadd.f32 v2, v9;
	v2 =	vld [tilespmem:s31+$0x6460];
	v1 =	vimm.f32 $0.0e+00  }
.LBB2_4:
0x104: {  	p0 =	sne.s32 s13, $0x18E00;
	v13 =	vld [tilespmem:s12+$0x6470];
	v9 =	vadd.f32 v10, v9  }
0x105: {  	v14 =	vld [tilespmem:s12+$0x6400];
	v7 =	vadd.f32 v8, v7  }
0x106: {  	v15 =	vld [tilespmem:s12+$0x6410];
	v6 =	vadd.f32 v5, v6  }
.Ltmp1:
0x107: {  	v10 =	vld [tilespmem:s12+$0x6420];
	v3 =	vadd.f32 v4, v3;
	(pc) =	sbr.rel @p0 .LBB2_4-.Ltmp1, $4  }
0x108: {  	v8 =	vld [tilespmem:s12+$0x6430];
	v1 =	vadd.f32 v2, v1  }
0x109: {  	v5 =	vld [tilespmem:s12+$0x6440];
	v0 =	vadd.f32 v13, v0  }
0x10a: {  	v12 =	vadd.f32 v14, v12;
	v4 =	vld [tilespmem:s12+$0x6450]  }
0x10b: {  	v11 =	vadd.f32 v15, v11;
	v2 =	vld [tilespmem:s12+$0x6460];
	s12 =	sshra.s32 s13, $0x2;
	s13 =	sadd.s32 $0x200, s13  }
0x10c: {  	v13 =	vld [tilespmem:s12+$0x6400];
	_ =	sdelay $0x4  }
0x10d: {  	v12 =	vadd.f32 v13, v12;
	_ =	sdelay $0x1  }
0x10e: {  	v12 =	vsub.f32 $0.0e+00, v12;
	_ =	sdelay $0x1  }
0x10f: {  	v12 =	vmul.f32 $1.442695020e+00, v12;
	_ =	sdelay $0x1  }
0x110: {  	(erf) = vpow2.f32 v12;
	_ =	sdelay $0x1  }
0x111: {  	v41 =	vld [tilespmem:s12+$0x6410];
	_ =	sdelay $0x4  }
0x112: {  	v11 =	vadd.f32 v41, v11;
	_ =	sdelay $0x1  }
0x113: {  	v11 =	vsub.f32 $0.0e+00, v11;
	v42 =	vpop (erf)  }
0x114: {  	v12 =	vadd.f32 $1.000000000e+00, v42  }
0x115: {  	v11 =	vmul.f32 $1.442695020e+00, v11  }
0x116: {  	(erf) = vrcp.f32 v12  }
0x117: {  	(erf) = vpow2.f32 v11;
	_ =	sdelay $0x1  }
0x118: {  	v43 =	vld [tilespmem:s12+$0x6420];
	_ =	sdelay $0x2  }
0x119: {  	v9 =	vadd.f32 v10, v9;
	_ =	sdelay $0x1  }
0x11a: {  	v9 =	vadd.f32 v43, v9  }
0x11b: {  	v44 =	vpop (erf)  }
0x11c: {  	v9 =	vsub.f32 $0.0e+00, v9;
	v45 =	vpop (erf)  }
0x11d: {  	v11 =	vadd.f32 $1.000000000e+00, v45  }
0x11e: {  	v9 =	vmul.f32 $1.442695020e+00, v9  }
0x11f: {  	(erf) = vrcp.f32 v11  }
0x120: {  	(erf) = vpow2.f32 v9;
	_ =	sdelay $0x1  }
0x121: {  	v46 =	vld [tilespmem:s12+$0x6430];
	_ =	sdelay $0x2  }
0x122: {  	v7 =	vadd.f32 v8, v7;
	_ =	sdelay $0x1  }
0x123: {  	v7 =	vadd.f32 v46, v7  }
0x124: {  	v47 =	vpop (erf)  }
0x125: {  	v7 =	vsub.f32 $0.0e+00, v7;
	v48 =	vpop (erf)  }
0x126: {  	v9 =	vadd.f32 $1.000000000e+00, v48  }
0x127: {  	v7 =	vmul.f32 $1.442695020e+00, v7  }
0x128: {  	(erf) = vrcp.f32 v9  }
0x129: {  	(erf) = vpow2.f32 v7;
	_ =	sdelay $0x1  }
0x12a: {  	v49 =	vld [tilespmem:s12+$0x6440];
	_ =	sdelay $0x2  }
0x12b: {  	v5 =	vadd.f32 v5, v6;
	_ =	sdelay $0x1  }
0x12c: {  	v5 =	vadd.f32 v49, v5  }
0x12d: {  	v50 =	vpop (erf)  }
0x12e: {  	v5 =	vsub.f32 $0.0e+00, v5;
	v51 =	vpop (erf)  }
0x12f: {  	v7 =	vadd.f32 $1.000000000e+00, v51  }
0x130: {  	v5 =	vmul.f32 $1.442695020e+00, v5  }
0x131: {  	(erf) = vrcp.f32 v7  }
0x132: {  	(erf) = vpow2.f32 v5;
	_ =	sdelay $0x1  }
0x133: {  	v52 =	vld [tilespmem:s12+$0x6450];
	_ =	sdelay $0x2  }
0x134: {  	v3 =	vadd.f32 v4, v3;
	_ =	sdelay $0x1  }
0x135: {  	v3 =	vadd.f32 v52, v3  }
0x136: {  	v53 =	vpop (erf)  }
0x137: {  	v3 =	vsub.f32 $0.0e+00, v3;
	v54 =	vpop (erf)  }
0x138: {  	v5 =	vadd.f32 $1.000000000e+00, v54  }
0x139: {  	v3 =	vmul.f32 $1.442695020e+00, v3  }
0x13a: {  	(erf) = vrcp.f32 v5  }
0x13b: {  	(erf) = vpow2.f32 v3;
	_ =	sdelay $0x1  }
0x13c: {  	v55 =	vld [tilespmem:s12+$0x6460];
	_ =	sdelay $0x2  }
0x13d: {  	v1 =	vadd.f32 v2, v1;
	_ =	sdelay $0x1  }
0x13e: {  	v1 =	vadd.f32 v55, v1  }
0x13f: {  	v56 =	vpop (erf)  }
0x140: {  	v1 =	vsub.f32 $0.0e+00, v1;
	v57 =	vpop (erf)  }
0x141: {  	v3 =	vadd.f32 $1.000000000e+00, v57  }
0x142: {  	v1 =	vmul.f32 $1.442695020e+00, v1  }
0x143: {  	(erf) = vrcp.f32 v3  }
0x144: {  	(erf) = vpow2.f32 v1;
	_ =	sdelay $0x1  }
0x145: {  	v58 =	vld [tilespmem:s12+$0x6470];
	_ =	sdelay $0x4  }
0x146: {  	v0 =	vadd.f32 v58, v0  }
0x147: {  	v59 =	vpop (erf)  }
0x148: {  	v0 =	vsub.f32 $0.0e+00, v0;
	v60 =	vpop (erf)  }
0x149: {  	v3 =	vadd.f32 $1.000000000e+00, v60  }
0x14a: {  	v0 =	vmul.f32 $1.442695020e+00, v0  }
0x14b: {  	(erf) = vrcp.f32 v3  }
0x14c: {  	(erf) = vpow2.f32 v0;
	_ =	sdelay $0x7  }
0x14d: {  	v61 =	vpop (erf)  }
0x14e: {  	v62 =	vpop (erf)  }
0x14f: {  	v3 =	vadd.f32 $1.000000000e+00, v62;
	_ =	sdelay $0x1  }
0x150: {  	(erf) = vrcp.f32 v3;
	_ =	sdelay $0x2  }
0x151: {  	[tilespmem:$0xC800] =	vst v44  }
0x152: {  	[tilespmem:$0xC810] =	vst v47  }
0x153: {  	[tilespmem:$0xC820] =	vst v50  }
0x154: {  	[tilespmem:$0xC830] =	vst v53  }
0x155: {  	[tilespmem:$0xC840] =	vst v56  }
0x156: {  	s11 =	sadd.s32 $0x1, s11;
	[tilespmem:$0xC850] =	vst v59  }
0x157: {  	p0 =	sne.s32 s11, s6;
	[tilespmem:$0xC860] =	vst v61;
	v63 =	vpop (erf)  }
.Ltmp2:
0x158: {  	[tilespmem:$0xC870] =	vst v63;
	(pc) =	sbr.rel @p0 .LBB2_1-.Ltmp2, $4  }
0x159: {  	[hbm4b:s5+s2] =	stream.linear.scatter [tilespmem:s10], [sflag:$0x2], $0x80, $0x38;
	[tilespmem:$0xC880] =	vst v63  }
0x15a: {  	_ =	swait.ge [sflag:s7], $0x80  }
0x15b: {  	[sflag:s7] =	ssyncset.done $0x0  }
0x15c: {  	[sflag:s7] =	ssyncadd.s32 $0xFFFFFF80  }
0x15d: {  	_ =	sfence.sel $0x180000  }
0x15e: {  	[bflag:$0x0] =	sbarrier.arrive $0xFFFF  }
0x15f: {  	p0 =	sne.s32 s0, $0x0;
	_ =	strace $0x90000047  }
0x160: {  	s0 =	sadd.s32 @!p0 $0x100000, s1;
	[bflag:$0x2] =	sbarrier.arrive $0xFFFF  }
0x161: {  	[sflag:s0] =	ssyncadd.tile.s32 @!p0 $0x1;
	_ =	shalt  }
.Lfunc_end2:
_tile_overlayer_lowered:
.L_overlay_start_2:
0x162: {  	(tag) =	ssettag $0x2  }
0x163: {  	s0 =	rddreg [dreg:$0x0];
	s2 =	stileid.u32  }
0x164: {  	s1 =	rddreg [dreg:$0x1];
	p0 =	sne.s32 s2, $0x0  }
0x165: {  	s3 =	rddreg [dreg:$0x2];
	[bflag:$0x3] =	sbarrier.arrive $0xFFFF;
	s2 =	simm.s32 @!p0 $0x1C02  }
0x166: {  	[timem:s3], [sflag:s2] =	dma.local @!p0 [hbm:s0], s1  }
0x167: {  	s0 =	simm.s32 @!p0 $0x2  }
0x168: {  	_ =	swait.ge @!p0 [sflag:s0], s1  }
0x169: {  	s1 =	ssub.s32 @!p0 $0x0, s1;
	[sflag:s0] =	ssyncset.done @!p0 $0x0  }
0x16a: {  	[sflag:s0] =	ssyncadd.s32 @!p0 s1  }
0x16b: {  	[bflag:$0x3] =	sbarrier.arrive $0xFFFF  }
0x16c: {  	_ =	shalt  }

</sc_bundles>
